<compile_context>
chip_gen: v7x
topology: tpu7x:2x2x1
jax: 0.10.2.dev20260603
libtpu: 0.0.44.dev20260713+nightly
codegen_flags: <defaults>
</compile_context>

<pallas_src>
import functools

import jax
import jax.numpy as jnp
from jax import lax
from jax.experimental import pallas as pl
from jax.experimental.pallas import tpu as pltpu
from jax.experimental.pallas import tpu_sc as plsc

NC = 2
NS = 16
LN = 16
NW = NC * NS
BLK = 128


def _fill_f32(ref, rows, cols, val):
    cpr = cols // LN

    def body(i, carry):
        r = i // cpr
        c = (i % cpr) * LN
        ref[r, pl.ds(c, LN)] = jnp.full((LN,), val, dtype=jnp.float32)
        return carry

    lax.fori_loop(0, rows * cpr, body, 0)


def _pick_chunk(epw):
    for c in range(128, 7, -8):
        if epw % c == 0:
            return c
    raise ValueError(f"no chunk size for {epw} edges per worker")


@functools.lru_cache(maxsize=None)
def _make_seg_sum(n, e, feat, with_deg):
    epw = e // NW
    C = _pick_chunk(epw)
    nchunks = epw // C
    dp = (-(-n // BLK) + LN - 1) // LN * LN
    rpt = (n // (NS * 8)) * 8
    tail = n - NS * rpt
    zrows = rpt
    for cand in (104, 125, 78, 100):
        if rpt % cand == 0 and cand >= tail:
            zrows = cand
            break
    nz = rpt // zrows

    mesh = plsc.VectorSubcoreMesh(
        core_axis_name="c", subcore_axis_name="s",
        num_cores=NC, num_subcores=NS)

    sums_type = jax.ShapeDtypeStruct((NC, n, feat), jnp.float32)
    out_type = [sums_type]
    scratch = [
        pltpu.VMEM((2, C), jnp.int32),
        pltpu.VMEM((2, C), jnp.int32),
        pltpu.VMEM((C, feat), jnp.float32),
        pltpu.VMEM((zrows, feat), jnp.float32),
        pltpu.VMEM_SHARED((n, feat), jnp.float32),
        pltpu.SemaphoreType.DMA,
    ]
    if with_deg:
        out_type.append(
            jax.ShapeDtypeStruct((NC, NS, dp * BLK), jnp.float32))
        scratch += [
            pltpu.VMEM((dp * BLK,), jnp.float32),
        ]

    def body(x_hbm, src_hbm, dst_hbm, *refs):
        if with_deg:
            (out_hbm, deg_hbm, idx_s, idx_d, rows, zbuf, acc, sem,
             dvm) = refs
        else:
            out_hbm, idx_s, idx_d, rows, zbuf, acc, sem = refs
        cid = lax.axis_index("c")
        sid = lax.axis_index("s")
        wid = cid * NS + sid
        base = wid * epw

        _fill_f32(zbuf, zrows, feat, 0.0)
        for k in range(nz):
            pltpu.sync_copy(zbuf, acc.at[pl.ds(sid * rpt + k * zrows, zrows)])
        if tail:
            @pl.when(sid == NS - 1)
            def _zero_tail():
                pltpu.sync_copy(zbuf.at[pl.ds(0, tail)],
                                acc.at[pl.ds(NS * rpt, tail)])
        if with_deg:
            def zb(i, carry):
                dvm[pl.ds(i * LN, LN)] = jnp.zeros((LN,), jnp.float32)
                return carry
            lax.fori_loop(0, dp * BLK // LN, zb, 0)
        plsc.subcore_barrier()

        one16 = jnp.full((LN,), 1.0, dtype=jnp.float32)

        def chunk(g, carry):
            off = pl.multiple_of(base + g * C, 8)
            pltpu.sync_copy(src_hbm.at[pl.ds(off, C)], idx_s.at[0])
            pltpu.sync_copy(dst_hbm.at[pl.ds(off, C)], idx_d.at[0])
            pltpu.async_copy(x_hbm.at[idx_s.at[0]], rows, sem).wait()
            pltpu.sync_copy(rows, acc.at[idx_d.at[0]], add=True)
            if with_deg:
                for k in range(C // LN):
                    di = idx_d[0, pl.ds(k * LN, LN)]
                    plsc.addupdate_scatter(dvm, [di], one16)
            return carry

        lax.fori_loop(0, nchunks, chunk, 0)
        if with_deg:
            pltpu.sync_copy(dvm, deg_hbm.at[cid, sid])
        plsc.subcore_barrier()

        pltpu.sync_copy(acc.at[pl.ds(sid * rpt, rpt)],
                        out_hbm.at[cid, pl.ds(sid * rpt, rpt)])
        if tail:
            @pl.when(sid == NS - 1)
            def _write_tail():
                pltpu.sync_copy(acc.at[pl.ds(NS * rpt, tail)],
                                out_hbm.at[cid, pl.ds(NS * rpt, tail)])

    return pl.kernel(body,
                     out_type=tuple(out_type) if with_deg else sums_type,
                     mesh=mesh, scratch_types=tuple(scratch),
                     compiler_params=pltpu.CompilerParams(
                         needs_layout_passes=False))


@functools.lru_cache(maxsize=None)
def _make_layer(n, feat):
    nb = -(-n // BLK)

    def body(x_ref, s_ref, d_ref, wl_ref, wr_ref, b_ref, o_ref):
        s = s_ref[0] + s_ref[1]
        drow = jnp.sum(d_ref[...], axis=0)[0]
        r = lax.broadcasted_iota(jnp.int32, (BLK, BLK), 0)
        c = lax.broadcasted_iota(jnp.int32, (BLK, BLK), 1)
        eye = (r == c).astype(jnp.float32)
        dcol = jax.lax.dot_general(
            eye, drow, (((1,), (1,)), ((), ())),
            preferred_element_type=jnp.float32)
        mean = s / jnp.maximum(dcol, 1.0)
        acc = jax.lax.dot_general(
            mean, wl_ref[...], (((1,), (0,)), ((), ())),
            precision=lax.Precision.HIGHEST,
            preferred_element_type=jnp.float32)
        acc = acc + jax.lax.dot_general(
            x_ref[...], wr_ref[...], (((1,), (0,)), ((), ())),
            precision=lax.Precision.HIGHEST,
            preferred_element_type=jnp.float32)
        o_ref[...] = jnp.tanh(acc + b_ref[...])

    return pl.pallas_call(
        body,
        grid=(nb,),
        in_specs=[
            pl.BlockSpec((BLK, feat), lambda b: (b, 0)),
            pl.BlockSpec((NC, BLK, feat), lambda b: (0, b, 0)),
            pl.BlockSpec((NW, 1, 1, BLK), lambda b: (0, b, 0, 0)),
            pl.BlockSpec((feat, feat), lambda b: (0, 0)),
            pl.BlockSpec((feat, feat), lambda b: (0, 0)),
            pl.BlockSpec((1, feat), lambda b: (0, 0)),
        ],
        out_specs=pl.BlockSpec((BLK, feat), lambda b: (b, 0)),
        out_shape=jax.ShapeDtypeStruct((n, feat), jnp.float32))


def kernel(x, edge_index, W1l, W1r, b1, W2l, W2r, b2):
    n, feat = x.shape
    e = edge_index.shape[1]
    ei = edge_index.astype(jnp.int32)
    src = ei[0]
    dst = ei[1]
    seg_deg = _make_seg_sum(n, e, feat, True)
    seg = _make_seg_sum(n, e, feat, False)
    layer = _make_layer(n, feat)

    sums1, degp = seg_deg(x, src, dst)
    degp = degp.reshape(NW, degp.shape[2] // BLK, 1, BLK)
    h = layer(x, sums1, degp, W1l, W1r, b1.reshape(1, feat))
    sums2 = seg(h, src, dst)
    out = layer(h, sums2, degp, W2l, W2r, b2.reshape(1, feat))
    return out

# --- scband reference (transcript-rebuilt; emitter-appended) ---
"""Pipeline reference for scband-gnn-18081812316513 (READ-ONLY COPY).

The authoritative reference and input builder live on the scoring server;
editing this copy changes nothing except your own understanding.
"""

import jax, jax.numpy as jnp
import numpy as np

IN_CH = 128
HID = 128
OUT_CH = 128
N = 10000
E = 320000

def setup_inputs(seed: int = 0) -> dict:
    key = jax.random.key(seed)
    ks = jax.random.split(key, 9)
    x = jax.random.normal(ks[0], (N, IN_CH), dtype=jnp.float32)
    edge_index = jax.random.randint(ks[1], (2, E), 0, N, dtype=jnp.int64)
    s1 = 1.0 / np.sqrt(IN_CH)
    s2 = 1.0 / np.sqrt(HID)
    W1l = jax.random.uniform(ks[2], (IN_CH, HID), dtype=jnp.float32, minval=-s1, maxval=s1)
    W1r = jax.random.uniform(ks[3], (IN_CH, HID), dtype=jnp.float32, minval=-s1, maxval=s1)
    b1 = jax.random.uniform(ks[4], (HID,), dtype=jnp.float32, minval=-s1, maxval=s1)
    W2l = jax.random.uniform(ks[5], (HID, OUT_CH), dtype=jnp.float32, minval=-s2, maxval=s2)
    W2r = jax.random.uniform(ks[6], (HID, OUT_CH), dtype=jnp.float32, minval=-s2, maxval=s2)
    b2 = jax.random.uniform(ks[7], (OUT_CH,), dtype=jnp.float32, minval=-s2, maxval=s2)
    return {"x": x, "edge_index": edge_index, "W1l": W1l, "W1r": W1r, "b1": b1, "W2l": W2l, "W2r": W2r, "b2": b2}

def _sage_conv(x, edge_index, Wl, Wr, b):
    # PyG SAGEConv with mean aggregation: out = mean_{j in N(i)} x_j @ Wl + x_i @ Wr + b
    src = edge_index[0]
    dst = edge_index[1]
    n = x.shape[0]
    summed = jax.ops.segment_sum(x[src], dst, num_segments=n)
    deg = jax.ops.segment_sum(jnp.ones((src.shape[0],), dtype=x.dtype), dst, num_segments=n)
    mean = summed / jnp.maximum(deg, 1.0)[:, None]
    return mean @ Wl + x @ Wr + b

def reference(x, edge_index, W1l, W1r, b1, W2l, W2r, b2):
    h = jnp.tanh(_sage_conv(x, edge_index, W1l, W1r, b1))
    h = jnp.tanh(_sage_conv(h, edge_index, W2l, W2r, b2))
    return h

if __name__ == "__main__":
    import jax
    _d = setup_inputs()
    print(jax.jit(kernel)(*tuple(_d.values())))

</pallas_src>

<mosaic_0001>
#map = affine_map<(d0, d1) -> (0, 0)>
#map1 = affine_map<(d0, d1) -> (0)>
#map2 = affine_map<(d0, d1) -> (0, 0, 0)>
module attributes {stable_mosaic.version = 14 : i64} {
  func.func @body(%arg0: i32, %arg1: i32, %arg2: memref<10000x128xf32, #tpu.memory_space<hbm>>, %arg3: memref<320000xi32, #tpu.memory_space<hbm>>, %arg4: memref<320000xi32, #tpu.memory_space<hbm>>, %arg5: memref<2x10000x128xf32, #tpu.memory_space<hbm>>, %arg6: memref<2x80xi32, #tpu.memory_space<vmem>>, %arg7: memref<2x80xi32, #tpu.memory_space<vmem>>, %arg8: memref<80x128xf32, #tpu.memory_space<vmem>>, %arg9: memref<104x128xf32, #tpu.memory_space<vmem>>, %arg10: memref<10000x128xf32, #tpu.memory_space<vmem_shared>>, %arg11: memref<!tpu.dma_semaphore, #tpu.memory_space<semaphore_mem>>) attributes {dimension_semantics = [#tpu.dimension_semantics<core_parallel>, #tpu.dimension_semantics<subcore_parallel>], iteration_bounds = array<i64: 2, 16>, scalar_prefetch = 0 : i64, scratch_operands = 6 : i64, tpu.core_type = #tpu.core_type<sc_vector_subcore>, window_params = [{transform_indices = #map}, {transform_indices = #map1}, {transform_indices = #map1}, {transform_indices = #map2}]} {
    %mul3A = arith.constant 16 : i32
    %mul3A_0 = arith.muli %arg0, %mul3A : i32
    %add3A = arith.addi %mul3A_0, %arg1 : i32
    %mul3A_1 = arith.constant 10000 : i32
    %mul3A_2 = arith.muli %add3A, %mul3A_1 : i32
    %scan3A = arith.constant 0 : i32
    %scan3A_3 = arith.constant 0 : i32
    %scan3A_4 = arith.constant 832 : i32
    %scan3A_5 = arith.addi %scan3A_3, %scan3A_4 : i32
    %scan3A_6 = arith.constant 1 : i32
    scf.for %scan3A_51 = %scan3A_3 to %scan3A_5 step %scan3A_6  : i32 {
      %jit3A = arith.constant 8 : i32
      %div3A = arith.divsi %scan3A_51, %jit3A : i32
      %sign3A = arith.constant 0 : i32
      %sign3A_52 = arith.cmpi sgt, %scan3A_51, %sign3A : i32
      %sign3A_53 = arith.extui %sign3A_52 : i1 to i32
      %sign3A_54 = arith.constant 0 : i32
      %sign3A_55 = arith.cmpi slt, %scan3A_51, %sign3A_54 : i32
      %sign3A_56 = arith.extui %sign3A_55 : i1 to i32
      %sign3A_57 = arith.subi %sign3A_53, %sign3A_56 : i32
      %sign3A_58 = arith.constant 0 : i32
      %sign3A_59 = arith.cmpi sgt, %jit3A, %sign3A_58 : i32
      %sign3A_60 = arith.extui %sign3A_59 : i1 to i32
      %sign3A_61 = arith.constant 0 : i32
      %sign3A_62 = arith.cmpi slt, %jit3A, %sign3A_61 : i32
      %sign3A_63 = arith.extui %sign3A_62 : i1 to i32
      %sign3A_64 = arith.subi %sign3A_60, %sign3A_63 : i32
      %ne3A = arith.cmpi ne, %sign3A_57, %sign3A_64 : i32
      %rem3A = arith.remsi %scan3A_51, %jit3A : i32
      %ne3A_65 = arith.constant 0 : i32
      %ne3A_66 = arith.cmpi ne, %rem3A, %ne3A_65 : i32
      %and3A = arith.andi %ne3A, %ne3A_66 : i1
      %sub3A = arith.constant 1 : i32
      %sub3A_67 = arith.subi %div3A, %sub3A : i32
      %select_n3A = arith.select %and3A, %sub3A_67, %div3A : i32
      %jit3A_68 = arith.constant 8 : i32
      %eq3A_69 = arith.constant 0 : i32
      %eq3A_70 = arith.cmpi eq, %jit3A_68, %eq3A_69 : i32
      %jit3A_71 = arith.constant 1 : i32
      %select_n3A_72 = arith.select %eq3A_70, %jit3A_71, %jit3A_68 : i32
      %rem3A_73 = arith.remsi %scan3A_51, %select_n3A_72 : i32
      %ne3A_74 = arith.constant 0 : i32
      %ne3A_75 = arith.cmpi ne, %rem3A_73, %ne3A_74 : i32
      %lt3A = arith.constant 0 : i32
      %lt3A_76 = arith.cmpi slt, %rem3A_73, %lt3A : i32
      %lt3A_77 = arith.constant 0 : i32
      %lt3A_78 = arith.cmpi slt, %select_n3A_72, %lt3A_77 : i32
      %ne3A_79 = arith.xori %lt3A_76, %lt3A_78 : i1
      %and3A_80 = arith.andi %ne3A_79, %ne3A_75 : i1
      %add3A_81 = arith.addi %rem3A_73, %select_n3A_72 : i32
      %select_n3A_82 = arith.select %and3A_80, %add3A_81, %rem3A_73 : i32
      %mul3A_83 = arith.constant 16 : i32
      %mul3A_84 = arith.muli %select_n3A_82, %mul3A_83 : i32
      %broadcast_in_dim3A_85 = arith.constant 0.000000e+00 : f32
      %broadcast_in_dim3A_86 = vector.broadcast %broadcast_in_dim3A_85 : f32 to vector<16xf32>
      %swap3A = arith.index_cast %select_n3A : i32 to index
      %swap3A_87 = arith.index_cast %mul3A_84 : i32 to index
      %swap3A_88 = tpu.vector_load %arg9[%swap3A, %swap3A_87] {strides = array<i32>} : memref<104x128xf32, #tpu.memory_space<vmem>>, vector<16xf32>,
      tpu.vector_store %arg9[%swap3A, %swap3A_87], %broadcast_in_dim3A_86 {strides = array<i32>} : memref<104x128xf32, #tpu.memory_space<vmem>>, vector<16xf32>,
    }
    %scan3A_7 = arith.constant 832 : i32
    %mul3A_8 = arith.constant 624 : i32
    %mul3A_9 = arith.muli %arg1, %mul3A_8 : i32
    %add3A_10 = arith.constant 0 : i32
    %add3A_11 = arith.addi %mul3A_9, %add3A_10 : i32
    "tpu.region"() ({
      %run_scoped3A = tpu.sem_alloc : memref<!tpu.dma_semaphore, #tpu.memory_space<semaphore_mem>>
      %dma_start3A = arith.constant 0 : i32
      %dma_start3A_51 = tpu.memref_slice %arg10[%add3A_11, %dma_start3A] : memref<10000x128xf32, #tpu.memory_space<vmem_shared>> -> memref<104x128xf32, #tpu.memory_space<vmem_shared>>
      %dma_start3A_52 = arith.constant 0 : i32
      %dma_start3A_53 = tpu.memref_slice %arg10[%add3A_11, %dma_start3A_52] : memref<10000x128xf32, #tpu.memory_space<vmem_shared>> -> memref<104x128xf32, #tpu.memory_space<vmem_shared>>
      tpu.enqueue_dma source(%arg9 : memref<104x128xf32, #tpu.memory_space<vmem>>) target(%dma_start3A_53 : memref<104x128xf32, #tpu.memory_space<vmem_shared>>) target_semaphore(%run_scoped3A : memref<!tpu.dma_semaphore, #tpu.memory_space<semaphore_mem>>)
      %dma_wait3A = arith.constant 0 : i32
      %dma_wait3A_54 = tpu.memref_slice %arg10[%add3A_11, %dma_wait3A] : memref<10000x128xf32, #tpu.memory_space<vmem_shared>> -> memref<104x128xf32, #tpu.memory_space<vmem_shared>>
      %dma_wait3A_55 = arith.constant 0 : i32
      %dma_wait3A_56 = tpu.memref_slice %arg10[%add3A_11, %dma_wait3A_55] : memref<10000x128xf32, #tpu.memory_space<vmem_shared>> -> memref<104x128xf32, #tpu.memory_space<vmem_shared>>
      tpu.wait_dma2 semaphore(%run_scoped3A : memref<!tpu.dma_semaphore, #tpu.memory_space<semaphore_mem>>) src(%arg9 : memref<104x128xf32, #tpu.memory_space<vmem>>) dst(%dma_wait3A_56 : memref<104x128xf32, #tpu.memory_space<vmem_shared>>)
      tpu.yield
    }) : () -> ()
    %mul3A_12 = arith.constant 624 : i32
    %mul3A_13 = arith.muli %arg1, %mul3A_12 : i32
    %add3A_14 = arith.constant 104 : i32
    %add3A_15 = arith.addi %mul3A_13, %add3A_14 : i32
    "tpu.region"() ({
      %run_scoped3A = tpu.sem_alloc : memref<!tpu.dma_semaphore, #tpu.memory_space<semaphore_mem>>
      %dma_start3A = arith.constant 0 : i32
      %dma_start3A_51 = tpu.memref_slice %arg10[%add3A_15, %dma_start3A] : memref<10000x128xf32, #tpu.memory_space<vmem_shared>> -> memref<104x128xf32, #tpu.memory_space<vmem_shared>>
      %dma_start3A_52 = arith.constant 0 : i32
      %dma_start3A_53 = tpu.memref_slice %arg10[%add3A_15, %dma_start3A_52] : memref<10000x128xf32, #tpu.memory_space<vmem_shared>> -> memref<104x128xf32, #tpu.memory_space<vmem_shared>>
      tpu.enqueue_dma source(%arg9 : memref<104x128xf32, #tpu.memory_space<vmem>>) target(%dma_start3A_53 : memref<104x128xf32, #tpu.memory_space<vmem_shared>>) target_semaphore(%run_scoped3A : memref<!tpu.dma_semaphore, #tpu.memory_space<semaphore_mem>>)
      %dma_wait3A = arith.constant 0 : i32
      %dma_wait3A_54 = tpu.memref_slice %arg10[%add3A_15, %dma_wait3A] : memref<10000x128xf32, #tpu.memory_space<vmem_shared>> -> memref<104x128xf32, #tpu.memory_space<vmem_shared>>
      %dma_wait3A_55 = arith.constant 0 : i32
      %dma_wait3A_56 = tpu.memref_slice %arg10[%add3A_15, %dma_wait3A_55] : memref<10000x128xf32, #tpu.memory_space<vmem_shared>> -> memref<104x128xf32, #tpu.memory_space<vmem_shared>>
      tpu.wait_dma2 semaphore(%run_scoped3A : memref<!tpu.dma_semaphore, #tpu.memory_space<semaphore_mem>>) src(%arg9 : memref<104x128xf32, #tpu.memory_space<vmem>>) dst(%dma_wait3A_56 : memref<104x128xf32, #tpu.memory_space<vmem_shared>>)
      tpu.yield
    }) : () -> ()
    %mul3A_16 = arith.constant 624 : i32
    %mul3A_17 = arith.muli %arg1, %mul3A_16 : i32
    %add3A_18 = arith.constant 208 : i32
    %add3A_19 = arith.addi %mul3A_17, %add3A_18 : i32
    "tpu.region"() ({
      %run_scoped3A = tpu.sem_alloc : memref<!tpu.dma_semaphore, #tpu.memory_space<semaphore_mem>>
      %dma_start3A = arith.constant 0 : i32
      %dma_start3A_51 = tpu.memref_slice %arg10[%add3A_19, %dma_start3A] : memref<10000x128xf32, #tpu.memory_space<vmem_shared>> -> memref<104x128xf32, #tpu.memory_space<vmem_shared>>
      %dma_start3A_52 = arith.constant 0 : i32
      %dma_start3A_53 = tpu.memref_slice %arg10[%add3A_19, %dma_start3A_52] : memref<10000x128xf32, #tpu.memory_space<vmem_shared>> -> memref<104x128xf32, #tpu.memory_space<vmem_shared>>
      tpu.enqueue_dma source(%arg9 : memref<104x128xf32, #tpu.memory_space<vmem>>) target(%dma_start3A_53 : memref<104x128xf32, #tpu.memory_space<vmem_shared>>) target_semaphore(%run_scoped3A : memref<!tpu.dma_semaphore, #tpu.memory_space<semaphore_mem>>)
      %dma_wait3A = arith.constant 0 : i32
      %dma_wait3A_54 = tpu.memref_slice %arg10[%add3A_19, %dma_wait3A] : memref<10000x128xf32, #tpu.memory_space<vmem_shared>> -> memref<104x128xf32, #tpu.memory_space<vmem_shared>>
      %dma_wait3A_55 = arith.constant 0 : i32
      %dma_wait3A_56 = tpu.memref_slice %arg10[%add3A_19, %dma_wait3A_55] : memref<10000x128xf32, #tpu.memory_space<vmem_shared>> -> memref<104x128xf32, #tpu.memory_space<vmem_shared>>
      tpu.wait_dma2 semaphore(%run_scoped3A : memref<!tpu.dma_semaphore, #tpu.memory_space<semaphore_mem>>) src(%arg9 : memref<104x128xf32, #tpu.memory_space<vmem>>) dst(%dma_wait3A_56 : memref<104x128xf32, #tpu.memory_space<vmem_shared>>)
      tpu.yield
    }) : () -> ()
    %mul3A_20 = arith.constant 624 : i32
    %mul3A_21 = arith.muli %arg1, %mul3A_20 : i32
    %add3A_22 = arith.constant 312 : i32
    %add3A_23 = arith.addi %mul3A_21, %add3A_22 : i32
    "tpu.region"() ({
      %run_scoped3A = tpu.sem_alloc : memref<!tpu.dma_semaphore, #tpu.memory_space<semaphore_mem>>
      %dma_start3A = arith.constant 0 : i32
      %dma_start3A_51 = tpu.memref_slice %arg10[%add3A_23, %dma_start3A] : memref<10000x128xf32, #tpu.memory_space<vmem_shared>> -> memref<104x128xf32, #tpu.memory_space<vmem_shared>>
      %dma_start3A_52 = arith.constant 0 : i32
      %dma_start3A_53 = tpu.memref_slice %arg10[%add3A_23, %dma_start3A_52] : memref<10000x128xf32, #tpu.memory_space<vmem_shared>> -> memref<104x128xf32, #tpu.memory_space<vmem_shared>>
      tpu.enqueue_dma source(%arg9 : memref<104x128xf32, #tpu.memory_space<vmem>>) target(%dma_start3A_53 : memref<104x128xf32, #tpu.memory_space<vmem_shared>>) target_semaphore(%run_scoped3A : memref<!tpu.dma_semaphore, #tpu.memory_space<semaphore_mem>>)
      %dma_wait3A = arith.constant 0 : i32
      %dma_wait3A_54 = tpu.memref_slice %arg10[%add3A_23, %dma_wait3A] : memref<10000x128xf32, #tpu.memory_space<vmem_shared>> -> memref<104x128xf32, #tpu.memory_space<vmem_shared>>
      %dma_wait3A_55 = arith.constant 0 : i32
      %dma_wait3A_56 = tpu.memref_slice %arg10[%add3A_23, %dma_wait3A_55] : memref<10000x128xf32, #tpu.memory_space<vmem_shared>> -> memref<104x128xf32, #tpu.memory_space<vmem_shared>>
      tpu.wait_dma2 semaphore(%run_scoped3A : memref<!tpu.dma_semaphore, #tpu.memory_space<semaphore_mem>>) src(%arg9 : memref<104x128xf32, #tpu.memory_space<vmem>>) dst(%dma_wait3A_56 : memref<104x128xf32, #tpu.memory_space<vmem_shared>>)
      tpu.yield
    }) : () -> ()
    %mul3A_24 = arith.constant 624 : i32
    %mul3A_25 = arith.muli %arg1, %mul3A_24 : i32
    %add3A_26 = arith.constant 416 : i32
    %add3A_27 = arith.addi %mul3A_25, %add3A_26 : i32
    "tpu.region"() ({
      %run_scoped3A = tpu.sem_alloc : memref<!tpu.dma_semaphore, #tpu.memory_space<semaphore_mem>>
      %dma_start3A = arith.constant 0 : i32
      %dma_start3A_51 = tpu.memref_slice %arg10[%add3A_27, %dma_start3A] : memref<10000x128xf32, #tpu.memory_space<vmem_shared>> -> memref<104x128xf32, #tpu.memory_space<vmem_shared>>
      %dma_start3A_52 = arith.constant 0 : i32
      %dma_start3A_53 = tpu.memref_slice %arg10[%add3A_27, %dma_start3A_52] : memref<10000x128xf32, #tpu.memory_space<vmem_shared>> -> memref<104x128xf32, #tpu.memory_space<vmem_shared>>
      tpu.enqueue_dma source(%arg9 : memref<104x128xf32, #tpu.memory_space<vmem>>) target(%dma_start3A_53 : memref<104x128xf32, #tpu.memory_space<vmem_shared>>) target_semaphore(%run_scoped3A : memref<!tpu.dma_semaphore, #tpu.memory_space<semaphore_mem>>)
      %dma_wait3A = arith.constant 0 : i32
      %dma_wait3A_54 = tpu.memref_slice %arg10[%add3A_27, %dma_wait3A] : memref<10000x128xf32, #tpu.memory_space<vmem_shared>> -> memref<104x128xf32, #tpu.memory_space<vmem_shared>>
      %dma_wait3A_55 = arith.constant 0 : i32
      %dma_wait3A_56 = tpu.memref_slice %arg10[%add3A_27, %dma_wait3A_55] : memref<10000x128xf32, #tpu.memory_space<vmem_shared>> -> memref<104x128xf32, #tpu.memory_space<vmem_shared>>
      tpu.wait_dma2 semaphore(%run_scoped3A : memref<!tpu.dma_semaphore, #tpu.memory_space<semaphore_mem>>) src(%arg9 : memref<104x128xf32, #tpu.memory_space<vmem>>) dst(%dma_wait3A_56 : memref<104x128xf32, #tpu.memory_space<vmem_shared>>)
      tpu.yield
    }) : () -> ()
    %mul3A_28 = arith.constant 624 : i32
    %mul3A_29 = arith.muli %arg1, %mul3A_28 : i32
    %add3A_30 = arith.constant 520 : i32
    %add3A_31 = arith.addi %mul3A_29, %add3A_30 : i32
    "tpu.region"() ({
      %run_scoped3A = tpu.sem_alloc : memref<!tpu.dma_semaphore, #tpu.memory_space<semaphore_mem>>
      %dma_start3A = arith.constant 0 : i32
      %dma_start3A_51 = tpu.memref_slice %arg10[%add3A_31, %dma_start3A] : memref<10000x128xf32, #tpu.memory_space<vmem_shared>> -> memref<104x128xf32, #tpu.memory_space<vmem_shared>>
      %dma_start3A_52 = arith.constant 0 : i32
      %dma_start3A_53 = tpu.memref_slice %arg10[%add3A_31, %dma_start3A_52] : memref<10000x128xf32, #tpu.memory_space<vmem_shared>> -> memref<104x128xf32, #tpu.memory_space<vmem_shared>>
      tpu.enqueue_dma source(%arg9 : memref<104x128xf32, #tpu.memory_space<vmem>>) target(%dma_start3A_53 : memref<104x128xf32, #tpu.memory_space<vmem_shared>>) target_semaphore(%run_scoped3A : memref<!tpu.dma_semaphore, #tpu.memory_space<semaphore_mem>>)
      %dma_wait3A = arith.constant 0 : i32
      %dma_wait3A_54 = tpu.memref_slice %arg10[%add3A_31, %dma_wait3A] : memref<10000x128xf32, #tpu.memory_space<vmem_shared>> -> memref<104x128xf32, #tpu.memory_space<vmem_shared>>
      %dma_wait3A_55 = arith.constant 0 : i32
      %dma_wait3A_56 = tpu.memref_slice %arg10[%add3A_31, %dma_wait3A_55] : memref<10000x128xf32, #tpu.memory_space<vmem_shared>> -> memref<104x128xf32, #tpu.memory_space<vmem_shared>>
      tpu.wait_dma2 semaphore(%run_scoped3A : memref<!tpu.dma_semaphore, #tpu.memory_space<semaphore_mem>>) src(%arg9 : memref<104x128xf32, #tpu.memory_space<vmem>>) dst(%dma_wait3A_56 : memref<104x128xf32, #tpu.memory_space<vmem_shared>>)
      tpu.yield
    }) : () -> ()
    %eq3A = arith.constant 15 : i32
    %eq3A_32 = arith.cmpi eq, %arg1, %eq3A : i32
    %convert_element_type3A = arith.extui %eq3A_32 : i1 to i32
    %cond3A = arith.constant 0 : i32
    %cond3A_33 = arith.cmpi ne, %convert_element_type3A, %cond3A : i32
    scf.if %cond3A_33 {
      "tpu.region"() ({
        %run_scoped3A = tpu.sem_alloc : memref<!tpu.dma_semaphore, #tpu.memory_space<semaphore_mem>>
        %dma_start3A = arith.constant 0 : i32
        %dma_start3A_51 = arith.constant 0 : i32
        %dma_start3A_52 = tpu.memref_slice %arg9[%dma_start3A, %dma_start3A_51] : memref<104x128xf32, #tpu.memory_space<vmem>> -> memref<16x128xf32, #tpu.memory_space<vmem>>
        %dma_start3A_53 = arith.constant 9984 : i32
        %dma_start3A_54 = arith.constant 0 : i32
        %dma_start3A_55 = tpu.memref_slice %arg10[%dma_start3A_53, %dma_start3A_54] : memref<10000x128xf32, #tpu.memory_space<vmem_shared>> -> memref<16x128xf32, #tpu.memory_space<vmem_shared>>
        %dma_start3A_56 = arith.constant 9984 : i32
        %dma_start3A_57 = arith.constant 0 : i32
        %dma_start3A_58 = tpu.memref_slice %arg10[%dma_start3A_56, %dma_start3A_57] : memref<10000x128xf32, #tpu.memory_space<vmem_shared>> -> memref<16x128xf32, #tpu.memory_space<vmem_shared>>
        %dma_start3A_59 = arith.constant 0 : i32
        %dma_start3A_60 = arith.constant 0 : i32
        %dma_start3A_61 = tpu.memref_slice %arg9[%dma_start3A_59, %dma_start3A_60] : memref<104x128xf32, #tpu.memory_space<vmem>> -> memref<16x128xf32, #tpu.memory_space<vmem>>
        tpu.enqueue_dma source(%dma_start3A_61 : memref<16x128xf32, #tpu.memory_space<vmem>>) target(%dma_start3A_58 : memref<16x128xf32, #tpu.memory_space<vmem_shared>>) target_semaphore(%run_scoped3A : memref<!tpu.dma_semaphore, #tpu.memory_space<semaphore_mem>>)
        %dma_wait3A = arith.constant 0 : i32
        %dma_wait3A_62 = arith.constant 0 : i32
        %dma_wait3A_63 = tpu.memref_slice %arg9[%dma_wait3A, %dma_wait3A_62] : memref<104x128xf32, #tpu.memory_space<vmem>> -> memref<16x128xf32, #tpu.memory_space<vmem>>
        %dma_wait3A_64 = arith.constant 9984 : i32
        %dma_wait3A_65 = arith.constant 0 : i32
        %dma_wait3A_66 = tpu.memref_slice %arg10[%dma_wait3A_64, %dma_wait3A_65] : memref<10000x128xf32, #tpu.memory_space<vmem_shared>> -> memref<16x128xf32, #tpu.memory_space<vmem_shared>>
        %dma_wait3A_67 = arith.constant 9984 : i32
        %dma_wait3A_68 = arith.constant 0 : i32
        %dma_wait3A_69 = tpu.memref_slice %arg10[%dma_wait3A_67, %dma_wait3A_68] : memref<10000x128xf32, #tpu.memory_space<vmem_shared>> -> memref<16x128xf32, #tpu.memory_space<vmem_shared>>
        %dma_wait3A_70 = arith.constant 0 : i32
        %dma_wait3A_71 = arith.constant 0 : i32
        %dma_wait3A_72 = tpu.memref_slice %arg9[%dma_wait3A_70, %dma_wait3A_71] : memref<104x128xf32, #tpu.memory_space<vmem>> -> memref<16x128xf32, #tpu.memory_space<vmem>>
        tpu.wait_dma2 semaphore(%run_scoped3A : memref<!tpu.dma_semaphore, #tpu.memory_space<semaphore_mem>>) src(%dma_wait3A_72 : memref<16x128xf32, #tpu.memory_space<vmem>>) dst(%dma_wait3A_69 : memref<16x128xf32, #tpu.memory_space<vmem_shared>>)
        tpu.yield
      }) : () -> ()
    } else {
    }
    %barrier3A = arith.constant 0 : index
    tpu.barrier barrier_id(%barrier3A)
    %broadcast_in_dim3A = arith.constant 1.000000e+00 : f32
    %broadcast_in_dim3A_34 = vector.broadcast %broadcast_in_dim3A : f32 to vector<16xf32>
    %scan3A_35 = arith.constant 0 : i32
    %scan3A_36 = arith.constant 0 : i32
    %scan3A_37 = arith.constant 125 : i32
    %scan3A_38 = arith.addi %scan3A_36, %scan3A_37 : i32
    %scan3A_39 = arith.constant 1 : i32
    scf.for %scan3A_51 = %scan3A_36 to %scan3A_38 step %scan3A_39  : i32 {
      %mul3A_52 = arith.constant 80 : i32
      %mul3A_53 = arith.muli %scan3A_51, %mul3A_52 : i32
      %add3A_54 = arith.addi %mul3A_2, %mul3A_53 : i32
      %multiple_of3A = tpu.assume_multiple %add3A_54, 8 : i32
      %run_scoped3A = arith.constant 0 : i32
      "tpu.region"() ({
        %run_scoped3A_69 = tpu.sem_alloc : memref<!tpu.dma_semaphore, #tpu.memory_space<semaphore_mem>>
        %dma_start3A_70 = arith.constant 0 : i32
        %dma_start3A_71 = tpu.memref_slice %arg6[%run_scoped3A, %dma_start3A_70] : memref<2x80xi32, #tpu.memory_space<vmem>> -> memref<1x80xi32, #tpu.memory_space<vmem>>
        %dma_start3A_72 = tpu.memref_squeeze %dma_start3A_71 : memref<1x80xi32, #tpu.memory_space<vmem>> -> memref<80xi32, #tpu.memory_space<vmem>>
        %dma_start3A_73 = tpu.memref_slice %arg3[%multiple_of3A] : memref<320000xi32, #tpu.memory_space<hbm>> -> memref<80xi32, #tpu.memory_space<hbm>>
        %dma_start3A_74 = arith.constant 0 : i32
        %dma_start3A_75 = tpu.memref_slice %arg6[%run_scoped3A, %dma_start3A_74] : memref<2x80xi32, #tpu.memory_space<vmem>> -> memref<1x80xi32, #tpu.memory_space<vmem>>
        %dma_start3A_76 = tpu.memref_squeeze %dma_start3A_75 : memref<1x80xi32, #tpu.memory_space<vmem>> -> memref<80xi32, #tpu.memory_space<vmem>>
        %dma_start3A_77 = tpu.memref_slice %arg3[%multiple_of3A] : memref<320000xi32, #tpu.memory_space<hbm>> -> memref<80xi32, #tpu.memory_space<hbm>>
        tpu.enqueue_dma source(%dma_start3A_77 : memref<80xi32, #tpu.memory_space<hbm>>) target(%dma_start3A_76 : memref<80xi32, #tpu.memory_space<vmem>>) target_semaphore(%run_scoped3A_69 : memref<!tpu.dma_semaphore, #tpu.memory_space<semaphore_mem>>)
        %dma_wait3A_78 = arith.constant 0 : i32
        %dma_wait3A_79 = tpu.memref_slice %arg6[%run_scoped3A, %dma_wait3A_78] : memref<2x80xi32, #tpu.memory_space<vmem>> -> memref<1x80xi32, #tpu.memory_space<vmem>>
        %dma_wait3A_80 = tpu.memref_squeeze %dma_wait3A_79 : memref<1x80xi32, #tpu.memory_space<vmem>> -> memref<80xi32, #tpu.memory_space<vmem>>
        %dma_wait3A_81 = tpu.memref_slice %arg3[%multiple_of3A] : memref<320000xi32, #tpu.memory_space<hbm>> -> memref<80xi32, #tpu.memory_space<hbm>>
        %dma_wait3A_82 = arith.constant 0 : i32
        %dma_wait3A_83 = tpu.memref_slice %arg6[%run_scoped3A, %dma_wait3A_82] : memref<2x80xi32, #tpu.memory_space<vmem>> -> memref<1x80xi32, #tpu.memory_space<vmem>>
        %dma_wait3A_84 = tpu.memref_squeeze %dma_wait3A_83 : memref<1x80xi32, #tpu.memory_space<vmem>> -> memref<80xi32, #tpu.memory_space<vmem>>
        %dma_wait3A_85 = tpu.memref_slice %arg3[%multiple_of3A] : memref<320000xi32, #tpu.memory_space<hbm>> -> memref<80xi32, #tpu.memory_space<hbm>>
        tpu.wait_dma2 semaphore(%run_scoped3A_69 : memref<!tpu.dma_semaphore, #tpu.memory_space<semaphore_mem>>) src(%dma_wait3A_85 : memref<80xi32, #tpu.memory_space<hbm>>) dst(%dma_wait3A_84 : memref<80xi32, #tpu.memory_space<vmem>>)
        tpu.yield
      }) : () -> ()
      %run_scoped3A_55 = arith.constant 0 : i32
      "tpu.region"() ({
        %run_scoped3A_69 = tpu.sem_alloc : memref<!tpu.dma_semaphore, #tpu.memory_space<semaphore_mem>>
        %dma_start3A_70 = arith.constant 0 : i32
        %dma_start3A_71 = tpu.memref_slice %arg7[%run_scoped3A_55, %dma_start3A_70] : memref<2x80xi32, #tpu.memory_space<vmem>> -> memref<1x80xi32, #tpu.memory_space<vmem>>
        %dma_start3A_72 = tpu.memref_squeeze %dma_start3A_71 : memref<1x80xi32, #tpu.memory_space<vmem>> -> memref<80xi32, #tpu.memory_space<vmem>>
        %dma_start3A_73 = tpu.memref_slice %arg4[%multiple_of3A] : memref<320000xi32, #tpu.memory_space<hbm>> -> memref<80xi32, #tpu.memory_space<hbm>>
        %dma_start3A_74 = arith.constant 0 : i32
        %dma_start3A_75 = tpu.memref_slice %arg7[%run_scoped3A_55, %dma_start3A_74] : memref<2x80xi32, #tpu.memory_space<vmem>> -> memref<1x80xi32, #tpu.memory_space<vmem>>
        %dma_start3A_76 = tpu.memref_squeeze %dma_start3A_75 : memref<1x80xi32, #tpu.memory_space<vmem>> -> memref<80xi32, #tpu.memory_space<vmem>>
        %dma_start3A_77 = tpu.memref_slice %arg4[%multiple_of3A] : memref<320000xi32, #tpu.memory_space<hbm>> -> memref<80xi32, #tpu.memory_space<hbm>>
        tpu.enqueue_dma source(%dma_start3A_77 : memref<80xi32, #tpu.memory_space<hbm>>) target(%dma_start3A_76 : memref<80xi32, #tpu.memory_space<vmem>>) target_semaphore(%run_scoped3A_69 : memref<!tpu.dma_semaphore, #tpu.memory_space<semaphore_mem>>)
        %dma_wait3A_78 = arith.constant 0 : i32
        %dma_wait3A_79 = tpu.memref_slice %arg7[%run_scoped3A_55, %dma_wait3A_78] : memref<2x80xi32, #tpu.memory_space<vmem>> -> memref<1x80xi32, #tpu.memory_space<vmem>>
        %dma_wait3A_80 = tpu.memref_squeeze %dma_wait3A_79 : memref<1x80xi32, #tpu.memory_space<vmem>> -> memref<80xi32, #tpu.memory_space<vmem>>
        %dma_wait3A_81 = tpu.memref_slice %arg4[%multiple_of3A] : memref<320000xi32, #tpu.memory_space<hbm>> -> memref<80xi32, #tpu.memory_space<hbm>>
        %dma_wait3A_82 = arith.constant 0 : i32
        %dma_wait3A_83 = tpu.memref_slice %arg7[%run_scoped3A_55, %dma_wait3A_82] : memref<2x80xi32, #tpu.memory_space<vmem>> -> memref<1x80xi32, #tpu.memory_space<vmem>>
        %dma_wait3A_84 = tpu.memref_squeeze %dma_wait3A_83 : memref<1x80xi32, #tpu.memory_space<vmem>> -> memref<80xi32, #tpu.memory_space<vmem>>
        %dma_wait3A_85 = tpu.memref_slice %arg4[%multiple_of3A] : memref<320000xi32, #tpu.memory_space<hbm>> -> memref<80xi32, #tpu.memory_space<hbm>>
        tpu.wait_dma2 semaphore(%run_scoped3A_69 : memref<!tpu.dma_semaphore, #tpu.memory_space<semaphore_mem>>) src(%dma_wait3A_85 : memref<80xi32, #tpu.memory_space<hbm>>) dst(%dma_wait3A_84 : memref<80xi32, #tpu.memory_space<vmem>>)
        tpu.yield
      }) : () -> ()
      %dma_start3A = arith.constant 0 : i32
      %dma_start3A_56 = arith.constant 0 : i32
      %dma_start3A_57 = tpu.memref_slice %arg6[%dma_start3A, %dma_start3A_56] : memref<2x80xi32, #tpu.memory_space<vmem>> -> memref<1x80xi32, #tpu.memory_space<vmem>>
      %dma_start3A_58 = tpu.memref_squeeze %dma_start3A_57 : memref<1x80xi32, #tpu.memory_space<vmem>> -> memref<80xi32, #tpu.memory_space<vmem>>
      %dma_start3A_59 = arith.constant 0 : i32
      %dma_start3A_60 = arith.constant 0 : i32
      %dma_start3A_61 = tpu.memref_slice %arg2[%dma_start3A_59, %dma_start3A_60] : memref<10000x128xf32, #tpu.memory_space<hbm>> -> memref<10000x128xf32, #tpu.memory_space<hbm>>
      tpu.enqueue_indirect_dma source(%dma_start3A_61 : memref<10000x128xf32, #tpu.memory_space<hbm>>) target(%arg8 : memref<80x128xf32, #tpu.memory_space<vmem>>) offsets(%dma_start3A_58 : memref<80xi32, #tpu.memory_space<vmem>>) semaphore(%arg11 : memref<!tpu.dma_semaphore, #tpu.memory_space<semaphore_mem>>)
      %dma_wait3A = arith.constant 0 : i32
      %dma_wait3A_62 = arith.constant 0 : i32
      %dma_wait3A_63 = tpu.memref_slice %arg6[%dma_wait3A, %dma_wait3A_62] : memref<2x80xi32, #tpu.memory_space<vmem>> -> memref<1x80xi32, #tpu.memory_space<vmem>>
      %dma_wait3A_64 = tpu.memref_squeeze %dma_wait3A_63 : memref<1x80xi32, #tpu.memory_space<vmem>> -> memref<80xi32, #tpu.memory_space<vmem>>
      %dma_wait3A_65 = arith.constant 0 : i32
      %dma_wait3A_66 = arith.constant 0 : i32
      %dma_wait3A_67 = tpu.memref_slice %arg2[%dma_wait3A_65, %dma_wait3A_66] : memref<10000x128xf32, #tpu.memory_space<hbm>> -> memref<10000x128xf32, #tpu.memory_space<hbm>>
      tpu.wait_indirect_dma semaphore(%arg11 : memref<!tpu.dma_semaphore, #tpu.memory_space<semaphore_mem>>) src(%dma_wait3A_67 : memref<10000x128xf32, #tpu.memory_space<hbm>>) dst(%arg8 : memref<80x128xf32, #tpu.memory_space<vmem>>)
      %run_scoped3A_68 = arith.constant 0 : i32
      "tpu.region"() ({
        %run_scoped3A_69 = tpu.sem_alloc : memref<!tpu.dma_semaphore, #tpu.memory_space<semaphore_mem>>
        %dma_start3A_70 = arith.constant 0 : i32
        %dma_start3A_71 = tpu.memref_slice %arg7[%run_scoped3A_68, %dma_start3A_70] : memref<2x80xi32, #tpu.memory_space<vmem>> -> memref<1x80xi32, #tpu.memory_space<vmem>>
        %dma_start3A_72 = tpu.memref_squeeze %dma_start3A_71 : memref<1x80xi32, #tpu.memory_space<vmem>> -> memref<80xi32, #tpu.memory_space<vmem>>
        %dma_start3A_73 = arith.constant 0 : i32
        %dma_start3A_74 = arith.constant 0 : i32
        %dma_start3A_75 = tpu.memref_slice %arg10[%dma_start3A_73, %dma_start3A_74] : memref<10000x128xf32, #tpu.memory_space<vmem_shared>> -> memref<10000x128xf32, #tpu.memory_space<vmem_shared>>
        tpu.enqueue_indirect_dma source(%arg8 : memref<80x128xf32, #tpu.memory_space<vmem>>) target(%dma_start3A_75 : memref<10000x128xf32, #tpu.memory_space<vmem_shared>>) offsets(%dma_start3A_72 : memref<80xi32, #tpu.memory_space<vmem>>) semaphore(%run_scoped3A_69 : memref<!tpu.dma_semaphore, #tpu.memory_space<semaphore_mem>>) {add = true}
        %dma_wait3A_76 = arith.constant 0 : i32
        %dma_wait3A_77 = tpu.memref_slice %arg7[%run_scoped3A_68, %dma_wait3A_76] : memref<2x80xi32, #tpu.memory_space<vmem>> -> memref<1x80xi32, #tpu.memory_space<vmem>>
        %dma_wait3A_78 = tpu.memref_squeeze %dma_wait3A_77 : memref<1x80xi32, #tpu.memory_space<vmem>> -> memref<80xi32, #tpu.memory_space<vmem>>
        %dma_wait3A_79 = arith.constant 0 : i32
        %dma_wait3A_80 = arith.constant 0 : i32
        %dma_wait3A_81 = tpu.memref_slice %arg10[%dma_wait3A_79, %dma_wait3A_80] : memref<10000x128xf32, #tpu.memory_space<vmem_shared>> -> memref<10000x128xf32, #tpu.memory_space<vmem_shared>>
        tpu.wait_indirect_dma semaphore(%run_scoped3A_69 : memref<!tpu.dma_semaphore, #tpu.memory_space<semaphore_mem>>) src(%arg8 : memref<80x128xf32, #tpu.memory_space<vmem>>) dst(%dma_wait3A_81 : memref<10000x128xf32, #tpu.memory_space<vmem_shared>>)
        tpu.yield
      }) : () -> ()
    }
    %scan3A_40 = arith.constant 125 : i32
    %barrier3A_41 = arith.constant 0 : index
    tpu.barrier barrier_id(%barrier3A_41)
    %mul3A_42 = arith.constant 624 : i32
    %mul3A_43 = arith.muli %arg1, %mul3A_42 : i32
    %mul3A_44 = arith.constant 624 : i32
    %mul3A_45 = arith.muli %arg1, %mul3A_44 : i32
    "tpu.region"() ({
      %run_scoped3A = tpu.sem_alloc : memref<!tpu.dma_semaphore, #tpu.memory_space<semaphore_mem>>
      %dma_start3A = arith.constant 0 : i32
      %dma_start3A_51 = tpu.memref_slice %arg5[%arg0, %mul3A_45, %dma_start3A] : memref<2x10000x128xf32, #tpu.memory_space<hbm>> -> memref<1x624x128xf32, #tpu.memory_space<hbm>>
      %dma_start3A_52 = tpu.memref_squeeze %dma_start3A_51 : memref<1x624x128xf32, #tpu.memory_space<hbm>> -> memref<624x128xf32, #tpu.memory_space<hbm>>
      %dma_start3A_53 = arith.constant 0 : i32
      %dma_start3A_54 = tpu.memref_slice %arg10[%mul3A_43, %dma_start3A_53] : memref<10000x128xf32, #tpu.memory_space<vmem_shared>> -> memref<624x128xf32, #tpu.memory_space<vmem_shared>>
      tpu.enqueue_dma source(%dma_start3A_54 : memref<624x128xf32, #tpu.memory_space<vmem_shared>>) target(%dma_start3A_52 : memref<624x128xf32, #tpu.memory_space<hbm>>) target_semaphore(%run_scoped3A : memref<!tpu.dma_semaphore, #tpu.memory_space<semaphore_mem>>)
      %dma_wait3A = arith.constant 0 : i32
      %dma_wait3A_55 = tpu.memref_slice %arg5[%arg0, %mul3A_45, %dma_wait3A] : memref<2x10000x128xf32, #tpu.memory_space<hbm>> -> memref<1x624x128xf32, #tpu.memory_space<hbm>>
      %dma_wait3A_56 = tpu.memref_squeeze %dma_wait3A_55 : memref<1x624x128xf32, #tpu.memory_space<hbm>> -> memref<624x128xf32, #tpu.memory_space<hbm>>
      %dma_wait3A_57 = arith.constant 0 : i32
      %dma_wait3A_58 = tpu.memref_slice %arg10[%mul3A_43, %dma_wait3A_57] : memref<10000x128xf32, #tpu.memory_space<vmem_shared>> -> memref<624x128xf32, #tpu.memory_space<vmem_shared>>
      tpu.wait_dma2 semaphore(%run_scoped3A : memref<!tpu.dma_semaphore, #tpu.memory_space<semaphore_mem>>) src(%dma_wait3A_58 : memref<624x128xf32, #tpu.memory_space<vmem_shared>>) dst(%dma_wait3A_56 : memref<624x128xf32, #tpu.memory_space<hbm>>)
      tpu.yield
    }) : () -> ()
    %eq3A_46 = arith.constant 15 : i32
    %eq3A_47 = arith.cmpi eq, %arg1, %eq3A_46 : i32
    %convert_element_type3A_48 = arith.extui %eq3A_47 : i1 to i32
    %cond3A_49 = arith.constant 0 : i32
    %cond3A_50 = arith.cmpi ne, %convert_element_type3A_48, %cond3A_49 : i32
    scf.if %cond3A_50 {
      "tpu.region"() ({
        %run_scoped3A = tpu.sem_alloc : memref<!tpu.dma_semaphore, #tpu.memory_space<semaphore_mem>>
        %dma_start3A = arith.constant 9984 : i32
        %dma_start3A_51 = arith.constant 0 : i32
        %dma_start3A_52 = tpu.memref_slice %arg5[%arg0, %dma_start3A, %dma_start3A_51] : memref<2x10000x128xf32, #tpu.memory_space<hbm>> -> memref<1x16x128xf32, #tpu.memory_space<hbm>>
        %dma_start3A_53 = tpu.memref_squeeze %dma_start3A_52 : memref<1x16x128xf32, #tpu.memory_space<hbm>> -> memref<16x128xf32, #tpu.memory_space<hbm>>
        %dma_start3A_54 = arith.constant 9984 : i32
        %dma_start3A_55 = arith.constant 0 : i32
        %dma_start3A_56 = tpu.memref_slice %arg10[%dma_start3A_54, %dma_start3A_55] : memref<10000x128xf32, #tpu.memory_space<vmem_shared>> -> memref<16x128xf32, #tpu.memory_space<vmem_shared>>
        tpu.enqueue_dma source(%dma_start3A_56 : memref<16x128xf32, #tpu.memory_space<vmem_shared>>) target(%dma_start3A_53 : memref<16x128xf32, #tpu.memory_space<hbm>>) target_semaphore(%run_scoped3A : memref<!tpu.dma_semaphore, #tpu.memory_space<semaphore_mem>>)
        %dma_wait3A = arith.constant 9984 : i32
        %dma_wait3A_57 = arith.constant 0 : i32
        %dma_wait3A_58 = tpu.memref_slice %arg5[%arg0, %dma_wait3A, %dma_wait3A_57] : memref<2x10000x128xf32, #tpu.memory_space<hbm>> -> memref<1x16x128xf32, #tpu.memory_space<hbm>>
        %dma_wait3A_59 = tpu.memref_squeeze %dma_wait3A_58 : memref<1x16x128xf32, #tpu.memory_space<hbm>> -> memref<16x128xf32, #tpu.memory_space<hbm>>
        %dma_wait3A_60 = arith.constant 9984 : i32
        %dma_wait3A_61 = arith.constant 0 : i32
        %dma_wait3A_62 = tpu.memref_slice %arg10[%dma_wait3A_60, %dma_wait3A_61] : memref<10000x128xf32, #tpu.memory_space<vmem_shared>> -> memref<16x128xf32, #tpu.memory_space<vmem_shared>>
        tpu.wait_dma2 semaphore(%run_scoped3A : memref<!tpu.dma_semaphore, #tpu.memory_space<semaphore_mem>>) src(%dma_wait3A_62 : memref<16x128xf32, #tpu.memory_space<vmem_shared>>) dst(%dma_wait3A_59 : memref<16x128xf32, #tpu.memory_space<hbm>>)
        tpu.yield
      }) : () -> ()
    } else {
    }
    return
  }
}

#map = affine_map<(d0, d1) -> (0, 0)>
#map1 = affine_map<(d0, d1) -> (0)>
#map2 = affine_map<(d0, d1) -> (0, 0, 0)>
module attributes {stable_mosaic.version = 14 : i64} {
  func.func @body(%arg0: i32, %arg1: i32, %arg2: memref<10000x128xf32, #tpu.memory_space<hbm>>, %arg3: memref<320000xi32, #tpu.memory_space<hbm>>, %arg4: memref<320000xi32, #tpu.memory_space<hbm>>, %arg5: memref<2x10000x128xf32, #tpu.memory_space<hbm>>, %arg6: memref<2x16x10240xf32, #tpu.memory_space<hbm>>, %arg7: memref<2x80xi32, #tpu.memory_space<vmem>>, %arg8: memref<2x80xi32, #tpu.memory_space<vmem>>, %arg9: memref<80x128xf32, #tpu.memory_space<vmem>>, %arg10: memref<104x128xf32, #tpu.memory_space<vmem>>, %arg11: memref<10000x128xf32, #tpu.memory_space<vmem_shared>>, %arg12: memref<!tpu.dma_semaphore, #tpu.memory_space<semaphore_mem>>, %arg13: memref<10240xf32, #tpu.memory_space<vmem>>) attributes {dimension_semantics = [#tpu.dimension_semantics<core_parallel>, #tpu.dimension_semantics<subcore_parallel>], iteration_bounds = array<i64: 2, 16>, scalar_prefetch = 0 : i64, scratch_operands = 7 : i64, tpu.core_type = #tpu.core_type<sc_vector_subcore>, window_params = [{transform_indices = #map}, {transform_indices = #map1}, {transform_indices = #map1}, {transform_indices = #map2}, {transform_indices = #map2}]} {
    %mul3A = arith.constant 16 : i32
    %mul3A_0 = arith.muli %arg0, %mul3A : i32
    %add3A = arith.addi %mul3A_0, %arg1 : i32
    %mul3A_1 = arith.constant 10000 : i32
    %mul3A_2 = arith.muli %add3A, %mul3A_1 : i32
    %scan3A = arith.constant 0 : i32
    %scan3A_3 = arith.constant 0 : i32
    %scan3A_4 = arith.constant 832 : i32
    %scan3A_5 = arith.addi %scan3A_3, %scan3A_4 : i32
    %scan3A_6 = arith.constant 1 : i32
    scf.for %scan3A_57 = %scan3A_3 to %scan3A_5 step %scan3A_6  : i32 {
      %jit3A = arith.constant 8 : i32
      %div3A = arith.divsi %scan3A_57, %jit3A : i32
      %sign3A = arith.constant 0 : i32
      %sign3A_58 = arith.cmpi sgt, %scan3A_57, %sign3A : i32
      %sign3A_59 = arith.extui %sign3A_58 : i1 to i32
      %sign3A_60 = arith.constant 0 : i32
      %sign3A_61 = arith.cmpi slt, %scan3A_57, %sign3A_60 : i32
      %sign3A_62 = arith.extui %sign3A_61 : i1 to i32
      %sign3A_63 = arith.subi %sign3A_59, %sign3A_62 : i32
      %sign3A_64 = arith.constant 0 : i32
      %sign3A_65 = arith.cmpi sgt, %jit3A, %sign3A_64 : i32
      %sign3A_66 = arith.extui %sign3A_65 : i1 to i32
      %sign3A_67 = arith.constant 0 : i32
      %sign3A_68 = arith.cmpi slt, %jit3A, %sign3A_67 : i32
      %sign3A_69 = arith.extui %sign3A_68 : i1 to i32
      %sign3A_70 = arith.subi %sign3A_66, %sign3A_69 : i32
      %ne3A = arith.cmpi ne, %sign3A_63, %sign3A_70 : i32
      %rem3A = arith.remsi %scan3A_57, %jit3A : i32
      %ne3A_71 = arith.constant 0 : i32
      %ne3A_72 = arith.cmpi ne, %rem3A, %ne3A_71 : i32
      %and3A = arith.andi %ne3A, %ne3A_72 : i1
      %sub3A = arith.constant 1 : i32
      %sub3A_73 = arith.subi %div3A, %sub3A : i32
      %select_n3A = arith.select %and3A, %sub3A_73, %div3A : i32
      %jit3A_74 = arith.constant 8 : i32
      %eq3A_75 = arith.constant 0 : i32
      %eq3A_76 = arith.cmpi eq, %jit3A_74, %eq3A_75 : i32
      %jit3A_77 = arith.constant 1 : i32
      %select_n3A_78 = arith.select %eq3A_76, %jit3A_77, %jit3A_74 : i32
      %rem3A_79 = arith.remsi %scan3A_57, %select_n3A_78 : i32
      %ne3A_80 = arith.constant 0 : i32
      %ne3A_81 = arith.cmpi ne, %rem3A_79, %ne3A_80 : i32
      %lt3A = arith.constant 0 : i32
      %lt3A_82 = arith.cmpi slt, %rem3A_79, %lt3A : i32
      %lt3A_83 = arith.constant 0 : i32
      %lt3A_84 = arith.cmpi slt, %select_n3A_78, %lt3A_83 : i32
      %ne3A_85 = arith.xori %lt3A_82, %lt3A_84 : i1
      %and3A_86 = arith.andi %ne3A_85, %ne3A_81 : i1
      %add3A_87 = arith.addi %rem3A_79, %select_n3A_78 : i32
      %select_n3A_88 = arith.select %and3A_86, %add3A_87, %rem3A_79 : i32
      %mul3A_89 = arith.constant 16 : i32
      %mul3A_90 = arith.muli %select_n3A_88, %mul3A_89 : i32
      %broadcast_in_dim3A_91 = arith.constant 0.000000e+00 : f32
      %broadcast_in_dim3A_92 = vector.broadcast %broadcast_in_dim3A_91 : f32 to vector<16xf32>
      %swap3A = arith.index_cast %select_n3A : i32 to index
      %swap3A_93 = arith.index_cast %mul3A_90 : i32 to index
      %swap3A_94 = tpu.vector_load %arg10[%swap3A, %swap3A_93] {strides = array<i32>} : memref<104x128xf32, #tpu.memory_space<vmem>>, vector<16xf32>,
      tpu.vector_store %arg10[%swap3A, %swap3A_93], %broadcast_in_dim3A_92 {strides = array<i32>} : memref<104x128xf32, #tpu.memory_space<vmem>>, vector<16xf32>,
    }
    %scan3A_7 = arith.constant 832 : i32
    %mul3A_8 = arith.constant 624 : i32
    %mul3A_9 = arith.muli %arg1, %mul3A_8 : i32
    %add3A_10 = arith.constant 0 : i32
    %add3A_11 = arith.addi %mul3A_9, %add3A_10 : i32
    "tpu.region"() ({
      %run_scoped3A = tpu.sem_alloc : memref<!tpu.dma_semaphore, #tpu.memory_space<semaphore_mem>>
      %dma_start3A = arith.constant 0 : i32
      %dma_start3A_57 = tpu.memref_slice %arg11[%add3A_11, %dma_start3A] : memref<10000x128xf32, #tpu.memory_space<vmem_shared>> -> memref<104x128xf32, #tpu.memory_space<vmem_shared>>
      %dma_start3A_58 = arith.constant 0 : i32
      %dma_start3A_59 = tpu.memref_slice %arg11[%add3A_11, %dma_start3A_58] : memref<10000x128xf32, #tpu.memory_space<vmem_shared>> -> memref<104x128xf32, #tpu.memory_space<vmem_shared>>
      tpu.enqueue_dma source(%arg10 : memref<104x128xf32, #tpu.memory_space<vmem>>) target(%dma_start3A_59 : memref<104x128xf32, #tpu.memory_space<vmem_shared>>) target_semaphore(%run_scoped3A : memref<!tpu.dma_semaphore, #tpu.memory_space<semaphore_mem>>)
      %dma_wait3A = arith.constant 0 : i32
      %dma_wait3A_60 = tpu.memref_slice %arg11[%add3A_11, %dma_wait3A] : memref<10000x128xf32, #tpu.memory_space<vmem_shared>> -> memref<104x128xf32, #tpu.memory_space<vmem_shared>>
      %dma_wait3A_61 = arith.constant 0 : i32
      %dma_wait3A_62 = tpu.memref_slice %arg11[%add3A_11, %dma_wait3A_61] : memref<10000x128xf32, #tpu.memory_space<vmem_shared>> -> memref<104x128xf32, #tpu.memory_space<vmem_shared>>
      tpu.wait_dma2 semaphore(%run_scoped3A : memref<!tpu.dma_semaphore, #tpu.memory_space<semaphore_mem>>) src(%arg10 : memref<104x128xf32, #tpu.memory_space<vmem>>) dst(%dma_wait3A_62 : memref<104x128xf32, #tpu.memory_space<vmem_shared>>)
      tpu.yield
    }) : () -> ()
    %mul3A_12 = arith.constant 624 : i32
    %mul3A_13 = arith.muli %arg1, %mul3A_12 : i32
    %add3A_14 = arith.constant 104 : i32
    %add3A_15 = arith.addi %mul3A_13, %add3A_14 : i32
    "tpu.region"() ({
      %run_scoped3A = tpu.sem_alloc : memref<!tpu.dma_semaphore, #tpu.memory_space<semaphore_mem>>
      %dma_start3A = arith.constant 0 : i32
      %dma_start3A_57 = tpu.memref_slice %arg11[%add3A_15, %dma_start3A] : memref<10000x128xf32, #tpu.memory_space<vmem_shared>> -> memref<104x128xf32, #tpu.memory_space<vmem_shared>>
      %dma_start3A_58 = arith.constant 0 : i32
      %dma_start3A_59 = tpu.memref_slice %arg11[%add3A_15, %dma_start3A_58] : memref<10000x128xf32, #tpu.memory_space<vmem_shared>> -> memref<104x128xf32, #tpu.memory_space<vmem_shared>>
      tpu.enqueue_dma source(%arg10 : memref<104x128xf32, #tpu.memory_space<vmem>>) target(%dma_start3A_59 : memref<104x128xf32, #tpu.memory_space<vmem_shared>>) target_semaphore(%run_scoped3A : memref<!tpu.dma_semaphore, #tpu.memory_space<semaphore_mem>>)
      %dma_wait3A = arith.constant 0 : i32
      %dma_wait3A_60 = tpu.memref_slice %arg11[%add3A_15, %dma_wait3A] : memref<10000x128xf32, #tpu.memory_space<vmem_shared>> -> memref<104x128xf32, #tpu.memory_space<vmem_shared>>
      %dma_wait3A_61 = arith.constant 0 : i32
      %dma_wait3A_62 = tpu.memref_slice %arg11[%add3A_15, %dma_wait3A_61] : memref<10000x128xf32, #tpu.memory_space<vmem_shared>> -> memref<104x128xf32, #tpu.memory_space<vmem_shared>>
      tpu.wait_dma2 semaphore(%run_scoped3A : memref<!tpu.dma_semaphore, #tpu.memory_space<semaphore_mem>>) src(%arg10 : memref<104x128xf32, #tpu.memory_space<vmem>>) dst(%dma_wait3A_62 : memref<104x128xf32, #tpu.memory_space<vmem_shared>>)
      tpu.yield
    }) : () -> ()
    %mul3A_16 = arith.constant 624 : i32
    %mul3A_17 = arith.muli %arg1, %mul3A_16 : i32
    %add3A_18 = arith.constant 208 : i32
    %add3A_19 = arith.addi %mul3A_17, %add3A_18 : i32
    "tpu.region"() ({
      %run_scoped3A = tpu.sem_alloc : memref<!tpu.dma_semaphore, #tpu.memory_space<semaphore_mem>>
      %dma_start3A = arith.constant 0 : i32
      %dma_start3A_57 = tpu.memref_slice %arg11[%add3A_19, %dma_start3A] : memref<10000x128xf32, #tpu.memory_space<vmem_shared>> -> memref<104x128xf32, #tpu.memory_space<vmem_shared>>
      %dma_start3A_58 = arith.constant 0 : i32
      %dma_start3A_59 = tpu.memref_slice %arg11[%add3A_19, %dma_start3A_58] : memref<10000x128xf32, #tpu.memory_space<vmem_shared>> -> memref<104x128xf32, #tpu.memory_space<vmem_shared>>
      tpu.enqueue_dma source(%arg10 : memref<104x128xf32, #tpu.memory_space<vmem>>) target(%dma_start3A_59 : memref<104x128xf32, #tpu.memory_space<vmem_shared>>) target_semaphore(%run_scoped3A : memref<!tpu.dma_semaphore, #tpu.memory_space<semaphore_mem>>)
      %dma_wait3A = arith.constant 0 : i32
      %dma_wait3A_60 = tpu.memref_slice %arg11[%add3A_19, %dma_wait3A] : memref<10000x128xf32, #tpu.memory_space<vmem_shared>> -> memref<104x128xf32, #tpu.memory_space<vmem_shared>>
      %dma_wait3A_61 = arith.constant 0 : i32
      %dma_wait3A_62 = tpu.memref_slice %arg11[%add3A_19, %dma_wait3A_61] : memref<10000x128xf32, #tpu.memory_space<vmem_shared>> -> memref<104x128xf32, #tpu.memory_space<vmem_shared>>
      tpu.wait_dma2 semaphore(%run_scoped3A : memref<!tpu.dma_semaphore, #tpu.memory_space<semaphore_mem>>) src(%arg10 : memref<104x128xf32, #tpu.memory_space<vmem>>) dst(%dma_wait3A_62 : memref<104x128xf32, #tpu.memory_space<vmem_shared>>)
      tpu.yield
    }) : () -> ()
    %mul3A_20 = arith.constant 624 : i32
    %mul3A_21 = arith.muli %arg1, %mul3A_20 : i32
    %add3A_22 = arith.constant 312 : i32
    %add3A_23 = arith.addi %mul3A_21, %add3A_22 : i32
    "tpu.region"() ({
      %run_scoped3A = tpu.sem_alloc : memref<!tpu.dma_semaphore, #tpu.memory_space<semaphore_mem>>
      %dma_start3A = arith.constant 0 : i32
      %dma_start3A_57 = tpu.memref_slice %arg11[%add3A_23, %dma_start3A] : memref<10000x128xf32, #tpu.memory_space<vmem_shared>> -> memref<104x128xf32, #tpu.memory_space<vmem_shared>>
      %dma_start3A_58 = arith.constant 0 : i32
      %dma_start3A_59 = tpu.memref_slice %arg11[%add3A_23, %dma_start3A_58] : memref<10000x128xf32, #tpu.memory_space<vmem_shared>> -> memref<104x128xf32, #tpu.memory_space<vmem_shared>>
      tpu.enqueue_dma source(%arg10 : memref<104x128xf32, #tpu.memory_space<vmem>>) target(%dma_start3A_59 : memref<104x128xf32, #tpu.memory_space<vmem_shared>>) target_semaphore(%run_scoped3A : memref<!tpu.dma_semaphore, #tpu.memory_space<semaphore_mem>>)
      %dma_wait3A = arith.constant 0 : i32
      %dma_wait3A_60 = tpu.memref_slice %arg11[%add3A_23, %dma_wait3A] : memref<10000x128xf32, #tpu.memory_space<vmem_shared>> -> memref<104x128xf32, #tpu.memory_space<vmem_shared>>
      %dma_wait3A_61 = arith.constant 0 : i32
      %dma_wait3A_62 = tpu.memref_slice %arg11[%add3A_23, %dma_wait3A_61] : memref<10000x128xf32, #tpu.memory_space<vmem_shared>> -> memref<104x128xf32, #tpu.memory_space<vmem_shared>>
      tpu.wait_dma2 semaphore(%run_scoped3A : memref<!tpu.dma_semaphore, #tpu.memory_space<semaphore_mem>>) src(%arg10 : memref<104x128xf32, #tpu.memory_space<vmem>>) dst(%dma_wait3A_62 : memref<104x128xf32, #tpu.memory_space<vmem_shared>>)
      tpu.yield
    }) : () -> ()
    %mul3A_24 = arith.constant 624 : i32
    %mul3A_25 = arith.muli %arg1, %mul3A_24 : i32
    %add3A_26 = arith.constant 416 : i32
    %add3A_27 = arith.addi %mul3A_25, %add3A_26 : i32
    "tpu.region"() ({
      %run_scoped3A = tpu.sem_alloc : memref<!tpu.dma_semaphore, #tpu.memory_space<semaphore_mem>>
      %dma_start3A = arith.constant 0 : i32
      %dma_start3A_57 = tpu.memref_slice %arg11[%add3A_27, %dma_start3A] : memref<10000x128xf32, #tpu.memory_space<vmem_shared>> -> memref<104x128xf32, #tpu.memory_space<vmem_shared>>
      %dma_start3A_58 = arith.constant 0 : i32
      %dma_start3A_59 = tpu.memref_slice %arg11[%add3A_27, %dma_start3A_58] : memref<10000x128xf32, #tpu.memory_space<vmem_shared>> -> memref<104x128xf32, #tpu.memory_space<vmem_shared>>
      tpu.enqueue_dma source(%arg10 : memref<104x128xf32, #tpu.memory_space<vmem>>) target(%dma_start3A_59 : memref<104x128xf32, #tpu.memory_space<vmem_shared>>) target_semaphore(%run_scoped3A : memref<!tpu.dma_semaphore, #tpu.memory_space<semaphore_mem>>)
      %dma_wait3A = arith.constant 0 : i32
      %dma_wait3A_60 = tpu.memref_slice %arg11[%add3A_27, %dma_wait3A] : memref<10000x128xf32, #tpu.memory_space<vmem_shared>> -> memref<104x128xf32, #tpu.memory_space<vmem_shared>>
      %dma_wait3A_61 = arith.constant 0 : i32
      %dma_wait3A_62 = tpu.memref_slice %arg11[%add3A_27, %dma_wait3A_61] : memref<10000x128xf32, #tpu.memory_space<vmem_shared>> -> memref<104x128xf32, #tpu.memory_space<vmem_shared>>
      tpu.wait_dma2 semaphore(%run_scoped3A : memref<!tpu.dma_semaphore, #tpu.memory_space<semaphore_mem>>) src(%arg10 : memref<104x128xf32, #tpu.memory_space<vmem>>) dst(%dma_wait3A_62 : memref<104x128xf32, #tpu.memory_space<vmem_shared>>)
      tpu.yield
    }) : () -> ()
    %mul3A_28 = arith.constant 624 : i32
    %mul3A_29 = arith.muli %arg1, %mul3A_28 : i32
    %add3A_30 = arith.constant 520 : i32
    %add3A_31 = arith.addi %mul3A_29, %add3A_30 : i32
    "tpu.region"() ({
      %run_scoped3A = tpu.sem_alloc : memref<!tpu.dma_semaphore, #tpu.memory_space<semaphore_mem>>
      %dma_start3A = arith.constant 0 : i32
      %dma_start3A_57 = tpu.memref_slice %arg11[%add3A_31, %dma_start3A] : memref<10000x128xf32, #tpu.memory_space<vmem_shared>> -> memref<104x128xf32, #tpu.memory_space<vmem_shared>>
      %dma_start3A_58 = arith.constant 0 : i32
      %dma_start3A_59 = tpu.memref_slice %arg11[%add3A_31, %dma_start3A_58] : memref<10000x128xf32, #tpu.memory_space<vmem_shared>> -> memref<104x128xf32, #tpu.memory_space<vmem_shared>>
      tpu.enqueue_dma source(%arg10 : memref<104x128xf32, #tpu.memory_space<vmem>>) target(%dma_start3A_59 : memref<104x128xf32, #tpu.memory_space<vmem_shared>>) target_semaphore(%run_scoped3A : memref<!tpu.dma_semaphore, #tpu.memory_space<semaphore_mem>>)
      %dma_wait3A = arith.constant 0 : i32
      %dma_wait3A_60 = tpu.memref_slice %arg11[%add3A_31, %dma_wait3A] : memref<10000x128xf32, #tpu.memory_space<vmem_shared>> -> memref<104x128xf32, #tpu.memory_space<vmem_shared>>
      %dma_wait3A_61 = arith.constant 0 : i32
      %dma_wait3A_62 = tpu.memref_slice %arg11[%add3A_31, %dma_wait3A_61] : memref<10000x128xf32, #tpu.memory_space<vmem_shared>> -> memref<104x128xf32, #tpu.memory_space<vmem_shared>>
      tpu.wait_dma2 semaphore(%run_scoped3A : memref<!tpu.dma_semaphore, #tpu.memory_space<semaphore_mem>>) src(%arg10 : memref<104x128xf32, #tpu.memory_space<vmem>>) dst(%dma_wait3A_62 : memref<104x128xf32, #tpu.memory_space<vmem_shared>>)
      tpu.yield
    }) : () -> ()
    %eq3A = arith.constant 15 : i32
    %eq3A_32 = arith.cmpi eq, %arg1, %eq3A : i32
    %convert_element_type3A = arith.extui %eq3A_32 : i1 to i32
    %cond3A = arith.constant 0 : i32
    %cond3A_33 = arith.cmpi ne, %convert_element_type3A, %cond3A : i32
    scf.if %cond3A_33 {
      "tpu.region"() ({
        %run_scoped3A = tpu.sem_alloc : memref<!tpu.dma_semaphore, #tpu.memory_space<semaphore_mem>>
        %dma_start3A = arith.constant 0 : i32
        %dma_start3A_57 = arith.constant 0 : i32
        %dma_start3A_58 = tpu.memref_slice %arg10[%dma_start3A, %dma_start3A_57] : memref<104x128xf32, #tpu.memory_space<vmem>> -> memref<16x128xf32, #tpu.memory_space<vmem>>
        %dma_start3A_59 = arith.constant 9984 : i32
        %dma_start3A_60 = arith.constant 0 : i32
        %dma_start3A_61 = tpu.memref_slice %arg11[%dma_start3A_59, %dma_start3A_60] : memref<10000x128xf32, #tpu.memory_space<vmem_shared>> -> memref<16x128xf32, #tpu.memory_space<vmem_shared>>
        %dma_start3A_62 = arith.constant 9984 : i32
        %dma_start3A_63 = arith.constant 0 : i32
        %dma_start3A_64 = tpu.memref_slice %arg11[%dma_start3A_62, %dma_start3A_63] : memref<10000x128xf32, #tpu.memory_space<vmem_shared>> -> memref<16x128xf32, #tpu.memory_space<vmem_shared>>
        %dma_start3A_65 = arith.constant 0 : i32
        %dma_start3A_66 = arith.constant 0 : i32
        %dma_start3A_67 = tpu.memref_slice %arg10[%dma_start3A_65, %dma_start3A_66] : memref<104x128xf32, #tpu.memory_space<vmem>> -> memref<16x128xf32, #tpu.memory_space<vmem>>
        tpu.enqueue_dma source(%dma_start3A_67 : memref<16x128xf32, #tpu.memory_space<vmem>>) target(%dma_start3A_64 : memref<16x128xf32, #tpu.memory_space<vmem_shared>>) target_semaphore(%run_scoped3A : memref<!tpu.dma_semaphore, #tpu.memory_space<semaphore_mem>>)
        %dma_wait3A = arith.constant 0 : i32
        %dma_wait3A_68 = arith.constant 0 : i32
        %dma_wait3A_69 = tpu.memref_slice %arg10[%dma_wait3A, %dma_wait3A_68] : memref<104x128xf32, #tpu.memory_space<vmem>> -> memref<16x128xf32, #tpu.memory_space<vmem>>
        %dma_wait3A_70 = arith.constant 9984 : i32
        %dma_wait3A_71 = arith.constant 0 : i32
        %dma_wait3A_72 = tpu.memref_slice %arg11[%dma_wait3A_70, %dma_wait3A_71] : memref<10000x128xf32, #tpu.memory_space<vmem_shared>> -> memref<16x128xf32, #tpu.memory_space<vmem_shared>>
        %dma_wait3A_73 = arith.constant 9984 : i32
        %dma_wait3A_74 = arith.constant 0 : i32
        %dma_wait3A_75 = tpu.memref_slice %arg11[%dma_wait3A_73, %dma_wait3A_74] : memref<10000x128xf32, #tpu.memory_space<vmem_shared>> -> memref<16x128xf32, #tpu.memory_space<vmem_shared>>
        %dma_wait3A_76 = arith.constant 0 : i32
        %dma_wait3A_77 = arith.constant 0 : i32
        %dma_wait3A_78 = tpu.memref_slice %arg10[%dma_wait3A_76, %dma_wait3A_77] : memref<104x128xf32, #tpu.memory_space<vmem>> -> memref<16x128xf32, #tpu.memory_space<vmem>>
        tpu.wait_dma2 semaphore(%run_scoped3A : memref<!tpu.dma_semaphore, #tpu.memory_space<semaphore_mem>>) src(%dma_wait3A_78 : memref<16x128xf32, #tpu.memory_space<vmem>>) dst(%dma_wait3A_75 : memref<16x128xf32, #tpu.memory_space<vmem_shared>>)
        tpu.yield
      }) : () -> ()
    } else {
    }
    %scan3A_34 = arith.constant 0 : i32
    %scan3A_35 = arith.constant 0 : i32
    %scan3A_36 = arith.constant 640 : i32
    %scan3A_37 = arith.addi %scan3A_35, %scan3A_36 : i32
    %scan3A_38 = arith.constant 1 : i32
    scf.for %scan3A_57 = %scan3A_35 to %scan3A_37 step %scan3A_38  : i32 {
      %broadcast_in_dim3A_58 = arith.constant 0.000000e+00 : f32
      %broadcast_in_dim3A_59 = vector.broadcast %broadcast_in_dim3A_58 : f32 to vector<16xf32>
      %mul3A_60 = arith.constant 16 : i32
      %mul3A_61 = arith.muli %scan3A_57, %mul3A_60 : i32
      %swap3A = arith.index_cast %mul3A_61 : i32 to index
      %swap3A_62 = tpu.vector_load %arg13[%swap3A] {strides = array<i32>} : memref<10240xf32, #tpu.memory_space<vmem>>, vector<16xf32>,
      tpu.vector_store %arg13[%swap3A], %broadcast_in_dim3A_59 {strides = array<i32>} : memref<10240xf32, #tpu.memory_space<vmem>>, vector<16xf32>,
    }
    %scan3A_39 = arith.constant 640 : i32
    %barrier3A = arith.constant 0 : index
    tpu.barrier barrier_id(%barrier3A)
    %broadcast_in_dim3A = arith.constant 1.000000e+00 : f32
    %broadcast_in_dim3A_40 = vector.broadcast %broadcast_in_dim3A : f32 to vector<16xf32>
    %scan3A_41 = arith.constant 0 : i32
    %scan3A_42 = arith.constant 0 : i32
    %scan3A_43 = arith.constant 125 : i32
    %scan3A_44 = arith.addi %scan3A_42, %scan3A_43 : i32
    %scan3A_45 = arith.constant 1 : i32
    scf.for %scan3A_57 = %scan3A_42 to %scan3A_44 step %scan3A_45  : i32 {
      %mul3A_58 = arith.constant 80 : i32
      %mul3A_59 = arith.muli %scan3A_57, %mul3A_58 : i32
      %add3A_60 = arith.addi %mul3A_2, %mul3A_59 : i32
      %multiple_of3A = tpu.assume_multiple %add3A_60, 8 : i32
      %run_scoped3A = arith.constant 0 : i32
      "tpu.region"() ({
        %run_scoped3A_94 = tpu.sem_alloc : memref<!tpu.dma_semaphore, #tpu.memory_space<semaphore_mem>>
        %dma_start3A_95 = arith.constant 0 : i32
        %dma_start3A_96 = tpu.memref_slice %arg7[%run_scoped3A, %dma_start3A_95] : memref<2x80xi32, #tpu.memory_space<vmem>> -> memref<1x80xi32, #tpu.memory_space<vmem>>
        %dma_start3A_97 = tpu.memref_squeeze %dma_start3A_96 : memref<1x80xi32, #tpu.memory_space<vmem>> -> memref<80xi32, #tpu.memory_space<vmem>>
        %dma_start3A_98 = tpu.memref_slice %arg3[%multiple_of3A] : memref<320000xi32, #tpu.memory_space<hbm>> -> memref<80xi32, #tpu.memory_space<hbm>>
        %dma_start3A_99 = arith.constant 0 : i32
        %dma_start3A_100 = tpu.memref_slice %arg7[%run_scoped3A, %dma_start3A_99] : memref<2x80xi32, #tpu.memory_space<vmem>> -> memref<1x80xi32, #tpu.memory_space<vmem>>
        %dma_start3A_101 = tpu.memref_squeeze %dma_start3A_100 : memref<1x80xi32, #tpu.memory_space<vmem>> -> memref<80xi32, #tpu.memory_space<vmem>>
        %dma_start3A_102 = tpu.memref_slice %arg3[%multiple_of3A] : memref<320000xi32, #tpu.memory_space<hbm>> -> memref<80xi32, #tpu.memory_space<hbm>>
        tpu.enqueue_dma source(%dma_start3A_102 : memref<80xi32, #tpu.memory_space<hbm>>) target(%dma_start3A_101 : memref<80xi32, #tpu.memory_space<vmem>>) target_semaphore(%run_scoped3A_94 : memref<!tpu.dma_semaphore, #tpu.memory_space<semaphore_mem>>)
        %dma_wait3A_103 = arith.constant 0 : i32
        %dma_wait3A_104 = tpu.memref_slice %arg7[%run_scoped3A, %dma_wait3A_103] : memref<2x80xi32, #tpu.memory_space<vmem>> -> memref<1x80xi32, #tpu.memory_space<vmem>>
        %dma_wait3A_105 = tpu.memref_squeeze %dma_wait3A_104 : memref<1x80xi32, #tpu.memory_space<vmem>> -> memref<80xi32, #tpu.memory_space<vmem>>
        %dma_wait3A_106 = tpu.memref_slice %arg3[%multiple_of3A] : memref<320000xi32, #tpu.memory_space<hbm>> -> memref<80xi32, #tpu.memory_space<hbm>>
        %dma_wait3A_107 = arith.constant 0 : i32
        %dma_wait3A_108 = tpu.memref_slice %arg7[%run_scoped3A, %dma_wait3A_107] : memref<2x80xi32, #tpu.memory_space<vmem>> -> memref<1x80xi32, #tpu.memory_space<vmem>>
        %dma_wait3A_109 = tpu.memref_squeeze %dma_wait3A_108 : memref<1x80xi32, #tpu.memory_space<vmem>> -> memref<80xi32, #tpu.memory_space<vmem>>
        %dma_wait3A_110 = tpu.memref_slice %arg3[%multiple_of3A] : memref<320000xi32, #tpu.memory_space<hbm>> -> memref<80xi32, #tpu.memory_space<hbm>>
        tpu.wait_dma2 semaphore(%run_scoped3A_94 : memref<!tpu.dma_semaphore, #tpu.memory_space<semaphore_mem>>) src(%dma_wait3A_110 : memref<80xi32, #tpu.memory_space<hbm>>) dst(%dma_wait3A_109 : memref<80xi32, #tpu.memory_space<vmem>>)
        tpu.yield
      }) : () -> ()
      %run_scoped3A_61 = arith.constant 0 : i32
      "tpu.region"() ({
        %run_scoped3A_94 = tpu.sem_alloc : memref<!tpu.dma_semaphore, #tpu.memory_space<semaphore_mem>>
        %dma_start3A_95 = arith.constant 0 : i32
        %dma_start3A_96 = tpu.memref_slice %arg8[%run_scoped3A_61, %dma_start3A_95] : memref<2x80xi32, #tpu.memory_space<vmem>> -> memref<1x80xi32, #tpu.memory_space<vmem>>
        %dma_start3A_97 = tpu.memref_squeeze %dma_start3A_96 : memref<1x80xi32, #tpu.memory_space<vmem>> -> memref<80xi32, #tpu.memory_space<vmem>>
        %dma_start3A_98 = tpu.memref_slice %arg4[%multiple_of3A] : memref<320000xi32, #tpu.memory_space<hbm>> -> memref<80xi32, #tpu.memory_space<hbm>>
        %dma_start3A_99 = arith.constant 0 : i32
        %dma_start3A_100 = tpu.memref_slice %arg8[%run_scoped3A_61, %dma_start3A_99] : memref<2x80xi32, #tpu.memory_space<vmem>> -> memref<1x80xi32, #tpu.memory_space<vmem>>
        %dma_start3A_101 = tpu.memref_squeeze %dma_start3A_100 : memref<1x80xi32, #tpu.memory_space<vmem>> -> memref<80xi32, #tpu.memory_space<vmem>>
        %dma_start3A_102 = tpu.memref_slice %arg4[%multiple_of3A] : memref<320000xi32, #tpu.memory_space<hbm>> -> memref<80xi32, #tpu.memory_space<hbm>>
        tpu.enqueue_dma source(%dma_start3A_102 : memref<80xi32, #tpu.memory_space<hbm>>) target(%dma_start3A_101 : memref<80xi32, #tpu.memory_space<vmem>>) target_semaphore(%run_scoped3A_94 : memref<!tpu.dma_semaphore, #tpu.memory_space<semaphore_mem>>)
        %dma_wait3A_103 = arith.constant 0 : i32
        %dma_wait3A_104 = tpu.memref_slice %arg8[%run_scoped3A_61, %dma_wait3A_103] : memref<2x80xi32, #tpu.memory_space<vmem>> -> memref<1x80xi32, #tpu.memory_space<vmem>>
        %dma_wait3A_105 = tpu.memref_squeeze %dma_wait3A_104 : memref<1x80xi32, #tpu.memory_space<vmem>> -> memref<80xi32, #tpu.memory_space<vmem>>
        %dma_wait3A_106 = tpu.memref_slice %arg4[%multiple_of3A] : memref<320000xi32, #tpu.memory_space<hbm>> -> memref<80xi32, #tpu.memory_space<hbm>>
        %dma_wait3A_107 = arith.constant 0 : i32
        %dma_wait3A_108 = tpu.memref_slice %arg8[%run_scoped3A_61, %dma_wait3A_107] : memref<2x80xi32, #tpu.memory_space<vmem>> -> memref<1x80xi32, #tpu.memory_space<vmem>>
        %dma_wait3A_109 = tpu.memref_squeeze %dma_wait3A_108 : memref<1x80xi32, #tpu.memory_space<vmem>> -> memref<80xi32, #tpu.memory_space<vmem>>
        %dma_wait3A_110 = tpu.memref_slice %arg4[%multiple_of3A] : memref<320000xi32, #tpu.memory_space<hbm>> -> memref<80xi32, #tpu.memory_space<hbm>>
        tpu.wait_dma2 semaphore(%run_scoped3A_94 : memref<!tpu.dma_semaphore, #tpu.memory_space<semaphore_mem>>) src(%dma_wait3A_110 : memref<80xi32, #tpu.memory_space<hbm>>) dst(%dma_wait3A_109 : memref<80xi32, #tpu.memory_space<vmem>>)
        tpu.yield
      }) : () -> ()
      %dma_start3A = arith.constant 0 : i32
      %dma_start3A_62 = arith.constant 0 : i32
      %dma_start3A_63 = tpu.memref_slice %arg7[%dma_start3A, %dma_start3A_62] : memref<2x80xi32, #tpu.memory_space<vmem>> -> memref<1x80xi32, #tpu.memory_space<vmem>>
      %dma_start3A_64 = tpu.memref_squeeze %dma_start3A_63 : memref<1x80xi32, #tpu.memory_space<vmem>> -> memref<80xi32, #tpu.memory_space<vmem>>
      %dma_start3A_65 = arith.constant 0 : i32
      %dma_start3A_66 = arith.constant 0 : i32
      %dma_start3A_67 = tpu.memref_slice %arg2[%dma_start3A_65, %dma_start3A_66] : memref<10000x128xf32, #tpu.memory_space<hbm>> -> memref<10000x128xf32, #tpu.memory_space<hbm>>
      tpu.enqueue_indirect_dma source(%dma_start3A_67 : memref<10000x128xf32, #tpu.memory_space<hbm>>) target(%arg9 : memref<80x128xf32, #tpu.memory_space<vmem>>) offsets(%dma_start3A_64 : memref<80xi32, #tpu.memory_space<vmem>>) semaphore(%arg12 : memref<!tpu.dma_semaphore, #tpu.memory_space<semaphore_mem>>)
      %dma_wait3A = arith.constant 0 : i32
      %dma_wait3A_68 = arith.constant 0 : i32
      %dma_wait3A_69 = tpu.memref_slice %arg7[%dma_wait3A, %dma_wait3A_68] : memref<2x80xi32, #tpu.memory_space<vmem>> -> memref<1x80xi32, #tpu.memory_space<vmem>>
      %dma_wait3A_70 = tpu.memref_squeeze %dma_wait3A_69 : memref<1x80xi32, #tpu.memory_space<vmem>> -> memref<80xi32, #tpu.memory_space<vmem>>
      %dma_wait3A_71 = arith.constant 0 : i32
      %dma_wait3A_72 = arith.constant 0 : i32
      %dma_wait3A_73 = tpu.memref_slice %arg2[%dma_wait3A_71, %dma_wait3A_72] : memref<10000x128xf32, #tpu.memory_space<hbm>> -> memref<10000x128xf32, #tpu.memory_space<hbm>>
      tpu.wait_indirect_dma semaphore(%arg12 : memref<!tpu.dma_semaphore, #tpu.memory_space<semaphore_mem>>) src(%dma_wait3A_73 : memref<10000x128xf32, #tpu.memory_space<hbm>>) dst(%arg9 : memref<80x128xf32, #tpu.memory_space<vmem>>)
      %run_scoped3A_74 = arith.constant 0 : i32
      "tpu.region"() ({
        %run_scoped3A_94 = tpu.sem_alloc : memref<!tpu.dma_semaphore, #tpu.memory_space<semaphore_mem>>
        %dma_start3A_95 = arith.constant 0 : i32
        %dma_start3A_96 = tpu.memref_slice %arg8[%run_scoped3A_74, %dma_start3A_95] : memref<2x80xi32, #tpu.memory_space<vmem>> -> memref<1x80xi32, #tpu.memory_space<vmem>>
        %dma_start3A_97 = tpu.memref_squeeze %dma_start3A_96 : memref<1x80xi32, #tpu.memory_space<vmem>> -> memref<80xi32, #tpu.memory_space<vmem>>
        %dma_start3A_98 = arith.constant 0 : i32
        %dma_start3A_99 = arith.constant 0 : i32
        %dma_start3A_100 = tpu.memref_slice %arg11[%dma_start3A_98, %dma_start3A_99] : memref<10000x128xf32, #tpu.memory_space<vmem_shared>> -> memref<10000x128xf32, #tpu.memory_space<vmem_shared>>
        tpu.enqueue_indirect_dma source(%arg9 : memref<80x128xf32, #tpu.memory_space<vmem>>) target(%dma_start3A_100 : memref<10000x128xf32, #tpu.memory_space<vmem_shared>>) offsets(%dma_start3A_97 : memref<80xi32, #tpu.memory_space<vmem>>) semaphore(%run_scoped3A_94 : memref<!tpu.dma_semaphore, #tpu.memory_space<semaphore_mem>>) {add = true}
        %dma_wait3A_101 = arith.constant 0 : i32
        %dma_wait3A_102 = tpu.memref_slice %arg8[%run_scoped3A_74, %dma_wait3A_101] : memref<2x80xi32, #tpu.memory_space<vmem>> -> memref<1x80xi32, #tpu.memory_space<vmem>>
        %dma_wait3A_103 = tpu.memref_squeeze %dma_wait3A_102 : memref<1x80xi32, #tpu.memory_space<vmem>> -> memref<80xi32, #tpu.memory_space<vmem>>
        %dma_wait3A_104 = arith.constant 0 : i32
        %dma_wait3A_105 = arith.constant 0 : i32
        %dma_wait3A_106 = tpu.memref_slice %arg11[%dma_wait3A_104, %dma_wait3A_105] : memref<10000x128xf32, #tpu.memory_space<vmem_shared>> -> memref<10000x128xf32, #tpu.memory_space<vmem_shared>>
        tpu.wait_indirect_dma semaphore(%run_scoped3A_94 : memref<!tpu.dma_semaphore, #tpu.memory_space<semaphore_mem>>) src(%arg9 : memref<80x128xf32, #tpu.memory_space<vmem>>) dst(%dma_wait3A_106 : memref<10000x128xf32, #tpu.memory_space<vmem_shared>>)
        tpu.yield
      }) : () -> ()
      %get3A = arith.constant 0 : i32
      %get3A_75 = arith.index_cast %get3A : i32 to index
      %get3A_76 = arith.constant 0 : index
      %get3A_77 = tpu.vector_load %arg8[%get3A_75, %get3A_76] {strides = array<i32>} : memref<2x80xi32, #tpu.memory_space<vmem>>, vector<16xi32>,
      tpu.vector_store_idx %arg13[%get3A_77], %broadcast_in_dim3A_40 {add = true} : memref<10240xf32, #tpu.memory_space<vmem>>[vector<16xi32>], vector<16xf32>,
      %get3A_78 = arith.constant 0 : i32
      %get3A_79 = arith.index_cast %get3A_78 : i32 to index
      %get3A_80 = arith.constant 16 : index
      %get3A_81 = tpu.vector_load %arg8[%get3A_79, %get3A_80] {strides = array<i32>} : memref<2x80xi32, #tpu.memory_space<vmem>>, vector<16xi32>,
      tpu.vector_store_idx %arg13[%get3A_81], %broadcast_in_dim3A_40 {add = true} : memref<10240xf32, #tpu.memory_space<vmem>>[vector<16xi32>], vector<16xf32>,
      %get3A_82 = arith.constant 0 : i32
      %get3A_83 = arith.index_cast %get3A_82 : i32 to index
      %get3A_84 = arith.constant 32 : index
      %get3A_85 = tpu.vector_load %arg8[%get3A_83, %get3A_84] {strides = array<i32>} : memref<2x80xi32, #tpu.memory_space<vmem>>, vector<16xi32>,
      tpu.vector_store_idx %arg13[%get3A_85], %broadcast_in_dim3A_40 {add = true} : memref<10240xf32, #tpu.memory_space<vmem>>[vector<16xi32>], vector<16xf32>,
      %get3A_86 = arith.constant 0 : i32
      %get3A_87 = arith.index_cast %get3A_86 : i32 to index
      %get3A_88 = arith.constant 48 : index
      %get3A_89 = tpu.vector_load %arg8[%get3A_87, %get3A_88] {strides = array<i32>} : memref<2x80xi32, #tpu.memory_space<vmem>>, vector<16xi32>,
      tpu.vector_store_idx %arg13[%get3A_89], %broadcast_in_dim3A_40 {add = true} : memref<10240xf32, #tpu.memory_space<vmem>>[vector<16xi32>], vector<16xf32>,
      %get3A_90 = arith.constant 0 : i32
      %get3A_91 = arith.index_cast %get3A_90 : i32 to index
      %get3A_92 = arith.constant 64 : index
      %get3A_93 = tpu.vector_load %arg8[%get3A_91, %get3A_92] {strides = array<i32>} : memref<2x80xi32, #tpu.memory_space<vmem>>, vector<16xi32>,
      tpu.vector_store_idx %arg13[%get3A_93], %broadcast_in_dim3A_40 {add = true} : memref<10240xf32, #tpu.memory_space<vmem>>[vector<16xi32>], vector<16xf32>,
    }
    %scan3A_46 = arith.constant 125 : i32
    "tpu.region"() ({
      %run_scoped3A = tpu.sem_alloc : memref<!tpu.dma_semaphore, #tpu.memory_space<semaphore_mem>>
      %dma_start3A = arith.constant 0 : i32
      %dma_start3A_57 = tpu.memref_slice %arg6[%arg0, %arg1, %dma_start3A] : memref<2x16x10240xf32, #tpu.memory_space<hbm>> -> memref<1x1x10240xf32, #tpu.memory_space<hbm>>
      %dma_start3A_58 = tpu.memref_squeeze %dma_start3A_57 : memref<1x1x10240xf32, #tpu.memory_space<hbm>> -> memref<10240xf32, #tpu.memory_space<hbm>>
      %dma_start3A_59 = arith.constant 0 : i32
      %dma_start3A_60 = tpu.memref_slice %arg6[%arg0, %arg1, %dma_start3A_59] : memref<2x16x10240xf32, #tpu.memory_space<hbm>> -> memref<1x1x10240xf32, #tpu.memory_space<hbm>>
      %dma_start3A_61 = tpu.memref_squeeze %dma_start3A_60 : memref<1x1x10240xf32, #tpu.memory_space<hbm>> -> memref<10240xf32, #tpu.memory_space<hbm>>
      tpu.enqueue_dma source(%arg13 : memref<10240xf32, #tpu.memory_space<vmem>>) target(%dma_start3A_61 : memref<10240xf32, #tpu.memory_space<hbm>>) target_semaphore(%run_scoped3A : memref<!tpu.dma_semaphore, #tpu.memory_space<semaphore_mem>>)
      %dma_wait3A = arith.constant 0 : i32
      %dma_wait3A_62 = tpu.memref_slice %arg6[%arg0, %arg1, %dma_wait3A] : memref<2x16x10240xf32, #tpu.memory_space<hbm>> -> memref<1x1x10240xf32, #tpu.memory_space<hbm>>
      %dma_wait3A_63 = tpu.memref_squeeze %dma_wait3A_62 : memref<1x1x10240xf32, #tpu.memory_space<hbm>> -> memref<10240xf32, #tpu.memory_space<hbm>>
      %dma_wait3A_64 = arith.constant 0 : i32
      %dma_wait3A_65 = tpu.memref_slice %arg6[%arg0, %arg1, %dma_wait3A_64] : memref<2x16x10240xf32, #tpu.memory_space<hbm>> -> memref<1x1x10240xf32, #tpu.memory_space<hbm>>
      %dma_wait3A_66 = tpu.memref_squeeze %dma_wait3A_65 : memref<1x1x10240xf32, #tpu.memory_space<hbm>> -> memref<10240xf32, #tpu.memory_space<hbm>>
      tpu.wait_dma2 semaphore(%run_scoped3A : memref<!tpu.dma_semaphore, #tpu.memory_space<semaphore_mem>>) src(%arg13 : memref<10240xf32, #tpu.memory_space<vmem>>) dst(%dma_wait3A_66 : memref<10240xf32, #tpu.memory_space<hbm>>)
      tpu.yield
    }) : () -> ()
    %barrier3A_47 = arith.constant 0 : index
    tpu.barrier barrier_id(%barrier3A_47)
    %mul3A_48 = arith.constant 624 : i32
    %mul3A_49 = arith.muli %arg1, %mul3A_48 : i32
    %mul3A_50 = arith.constant 624 : i32
    %mul3A_51 = arith.muli %arg1, %mul3A_50 : i32
    "tpu.region"() ({
      %run_scoped3A = tpu.sem_alloc : memref<!tpu.dma_semaphore, #tpu.memory_space<semaphore_mem>>
      %dma_start3A = arith.constant 0 : i32
      %dma_start3A_57 = tpu.memref_slice %arg5[%arg0, %mul3A_51, %dma_start3A] : memref<2x10000x128xf32, #tpu.memory_space<hbm>> -> memref<1x624x128xf32, #tpu.memory_space<hbm>>
      %dma_start3A_58 = tpu.memref_squeeze %dma_start3A_57 : memref<1x624x128xf32, #tpu.memory_space<hbm>> -> memref<624x128xf32, #tpu.memory_space<hbm>>
      %dma_start3A_59 = arith.constant 0 : i32
      %dma_start3A_60 = tpu.memref_slice %arg11[%mul3A_49, %dma_start3A_59] : memref<10000x128xf32, #tpu.memory_space<vmem_shared>> -> memref<624x128xf32, #tpu.memory_space<vmem_shared>>
      tpu.enqueue_dma source(%dma_start3A_60 : memref<624x128xf32, #tpu.memory_space<vmem_shared>>) target(%dma_start3A_58 : memref<624x128xf32, #tpu.memory_space<hbm>>) target_semaphore(%run_scoped3A : memref<!tpu.dma_semaphore, #tpu.memory_space<semaphore_mem>>)
      %dma_wait3A = arith.constant 0 : i32
      %dma_wait3A_61 = tpu.memref_slice %arg5[%arg0, %mul3A_51, %dma_wait3A] : memref<2x10000x128xf32, #tpu.memory_space<hbm>> -> memref<1x624x128xf32, #tpu.memory_space<hbm>>
      %dma_wait3A_62 = tpu.memref_squeeze %dma_wait3A_61 : memref<1x624x128xf32, #tpu.memory_space<hbm>> -> memref<624x128xf32, #tpu.memory_space<hbm>>
      %dma_wait3A_63 = arith.constant 0 : i32
      %dma_wait3A_64 = tpu.memref_slice %arg11[%mul3A_49, %dma_wait3A_63] : memref<10000x128xf32, #tpu.memory_space<vmem_shared>> -> memref<624x128xf32, #tpu.memory_space<vmem_shared>>
      tpu.wait_dma2 semaphore(%run_scoped3A : memref<!tpu.dma_semaphore, #tpu.memory_space<semaphore_mem>>) src(%dma_wait3A_64 : memref<624x128xf32, #tpu.memory_space<vmem_shared>>) dst(%dma_wait3A_62 : memref<624x128xf32, #tpu.memory_space<hbm>>)
      tpu.yield
    }) : () -> ()
    %eq3A_52 = arith.constant 15 : i32
    %eq3A_53 = arith.cmpi eq, %arg1, %eq3A_52 : i32
    %convert_element_type3A_54 = arith.extui %eq3A_53 : i1 to i32
    %cond3A_55 = arith.constant 0 : i32
    %cond3A_56 = arith.cmpi ne, %convert_element_type3A_54, %cond3A_55 : i32
    scf.if %cond3A_56 {
      "tpu.region"() ({
        %run_scoped3A = tpu.sem_alloc : memref<!tpu.dma_semaphore, #tpu.memory_space<semaphore_mem>>
        %dma_start3A = arith.constant 9984 : i32
        %dma_start3A_57 = arith.constant 0 : i32
        %dma_start3A_58 = tpu.memref_slice %arg5[%arg0, %dma_start3A, %dma_start3A_57] : memref<2x10000x128xf32, #tpu.memory_space<hbm>> -> memref<1x16x128xf32, #tpu.memory_space<hbm>>
        %dma_start3A_59 = tpu.memref_squeeze %dma_start3A_58 : memref<1x16x128xf32, #tpu.memory_space<hbm>> -> memref<16x128xf32, #tpu.memory_space<hbm>>
        %dma_start3A_60 = arith.constant 9984 : i32
        %dma_start3A_61 = arith.constant 0 : i32
        %dma_start3A_62 = tpu.memref_slice %arg11[%dma_start3A_60, %dma_start3A_61] : memref<10000x128xf32, #tpu.memory_space<vmem_shared>> -> memref<16x128xf32, #tpu.memory_space<vmem_shared>>
        tpu.enqueue_dma source(%dma_start3A_62 : memref<16x128xf32, #tpu.memory_space<vmem_shared>>) target(%dma_start3A_59 : memref<16x128xf32, #tpu.memory_space<hbm>>) target_semaphore(%run_scoped3A : memref<!tpu.dma_semaphore, #tpu.memory_space<semaphore_mem>>)
        %dma_wait3A = arith.constant 9984 : i32
        %dma_wait3A_63 = arith.constant 0 : i32
        %dma_wait3A_64 = tpu.memref_slice %arg5[%arg0, %dma_wait3A, %dma_wait3A_63] : memref<2x10000x128xf32, #tpu.memory_space<hbm>> -> memref<1x16x128xf32, #tpu.memory_space<hbm>>
        %dma_wait3A_65 = tpu.memref_squeeze %dma_wait3A_64 : memref<1x16x128xf32, #tpu.memory_space<hbm>> -> memref<16x128xf32, #tpu.memory_space<hbm>>
        %dma_wait3A_66 = arith.constant 9984 : i32
        %dma_wait3A_67 = arith.constant 0 : i32
        %dma_wait3A_68 = tpu.memref_slice %arg11[%dma_wait3A_66, %dma_wait3A_67] : memref<10000x128xf32, #tpu.memory_space<vmem_shared>> -> memref<16x128xf32, #tpu.memory_space<vmem_shared>>
        tpu.wait_dma2 semaphore(%run_scoped3A : memref<!tpu.dma_semaphore, #tpu.memory_space<semaphore_mem>>) src(%dma_wait3A_68 : memref<16x128xf32, #tpu.memory_space<vmem_shared>>) dst(%dma_wait3A_65 : memref<16x128xf32, #tpu.memory_space<hbm>>)
        tpu.yield
      }) : () -> ()
    } else {
    }
    return
  }
}

module attributes {stable_mosaic.version = 14 : i64} {
  func.func @body(%arg0: i32, %arg1: memref<128x128xf32, #tpu.memory_space<vmem>>, %arg2: memref<2x128x128xf32, #tpu.memory_space<vmem>>, %arg3: memref<32x1x1x128xf32, #tpu.memory_space<vmem>>, %arg4: memref<128x128xf32, #tpu.memory_space<vmem>>, %arg5: memref<128x128xf32, #tpu.memory_space<vmem>>, %arg6: memref<1x128xf32, #tpu.memory_space<vmem>>, %arg7: memref<128x128xf32, #tpu.memory_space<vmem>>) attributes {dimension_semantics = [#tpu.dimension_semantics<arbitrary>], iteration_bounds = array<i64: 79>, scalar_prefetch = 0 : i64, scratch_operands = 0 : i64, tpu.core_type = #tpu.core_type<tc>, window_params = [{transform_indices = @transform_0, window_bounds = array<i64: 128, 128>}, {transform_indices = @transform_1, window_bounds = array<i64: 2, 128, 128>}, {transform_indices = @transform_2, window_bounds = array<i64: 32, 1, 1, 128>}, {pipeline_mode = #tpu.pipeline_mode<synchronous>, transform_indices = @transform_3, window_bounds = array<i64: 128, 128>}, {pipeline_mode = #tpu.pipeline_mode<synchronous>, transform_indices = @transform_4, window_bounds = array<i64: 128, 128>}, {pipeline_mode = #tpu.pipeline_mode<synchronous>, transform_indices = @transform_5, window_bounds = array<i64: 1, 128>}, {transform_indices = @transform_6, window_bounds = array<i64: 128, 128>}]} {
    %get3A = arith.constant 0 : index
    %get3A_0 = arith.constant 0 : index
    %get3A_1 = arith.constant 0 : index
    %get3A_2 = vector.load %arg2[%get3A, %get3A_0, %get3A_1] : memref<2x128x128xf32, #tpu.memory_space<vmem>>, vector<1x128x128xf32>
    %get3A_3 = vector.shape_cast %get3A_2 : vector<1x128x128xf32> to vector<128x128xf32>
    %get3A_4 = arith.constant 1 : index
    %get3A_5 = arith.constant 0 : index
    %get3A_6 = arith.constant 0 : index
    %get3A_7 = vector.load %arg2[%get3A_4, %get3A_5, %get3A_6] : memref<2x128x128xf32, #tpu.memory_space<vmem>>, vector<1x128x128xf32>
    %get3A_8 = vector.shape_cast %get3A_7 : vector<1x128x128xf32> to vector<128x128xf32>
    %add3A = arith.addf %get3A_3, %get3A_8 : vector<128x128xf32>
    %get3A_9 = arith.constant 0 : index
    %get3A_10 = arith.constant 0 : index
    %get3A_11 = arith.constant 0 : index
    %get3A_12 = arith.constant 0 : index
    %get3A_13 = vector.load %arg3[%get3A_9, %get3A_10, %get3A_11, %get3A_12] : memref<32x1x1x128xf32, #tpu.memory_space<vmem>>, vector<32x1x1x128xf32>
    %reduce_sum3A = arith.constant dense<0.000000e+00> : vector<1x1x128xf32>
    %reduce_sum3A_14 = vector.multi_reduction <add>, %get3A_13, %reduce_sum3A [0] : vector<32x1x1x128xf32> to vector<1x1x128xf32>
    %squeeze3A = vector.shape_cast %reduce_sum3A_14 : vector<1x1x128xf32> to vector<1x128xf32>
    %iota3A = tpu.iota {dimensions = array<i32: 0>} : vector<128x128xi32>
    %iota3A_15 = tpu.iota {dimensions = array<i32: 1>} : vector<128x128xi32>
    %eq3A = arith.cmpi eq, %iota3A, %iota3A_15 : vector<128x128xi32>
    %convert_element_type3A = arith.extui %eq3A : vector<128x128xi1> to vector<128x128xi32>
    %convert_element_type3A_16 = arith.sitofp %convert_element_type3A : vector<128x128xi32> to vector<128x128xf32>
    %dot_general3A = arith.constant dense<0.000000e+00> : vector<128x1xf32>
    %dot_general3A_17 = tpu.matmul %convert_element_type3A_16, %squeeze3A, %dot_general3A {dimension_numbers = #tpu.dot_dimension_numbers<[1], [1], [0], [0], [0, 0, 1, 0], [], []>, transpose_lhs_hint = false} : vector<128x128xf32>, vector<1x128xf32>, vector<128x1xf32> -> vector<128x1xf32>
    %max3A = arith.constant 1.000000e+00 : f32
    %max3A_18 = vector.broadcast %max3A : f32 to vector<128x1xf32>
    %max3A_19 = arith.maximumf %dot_general3A_17, %max3A_18 : vector<128x1xf32>
    %div3A = vector.broadcast %max3A_19 : vector<128x1xf32> to vector<128x128xf32>
    %div3A_20 = arith.divf %add3A, %div3A : vector<128x128xf32>
    %get3A_21 = arith.constant 0 : index
    %get3A_22 = arith.constant 0 : index
    %get3A_23 = vector.load %arg4[%get3A_21, %get3A_22] : memref<128x128xf32, #tpu.memory_space<vmem>>, vector<128x128xf32>
    %dot_general3A_24 = arith.constant dense<0.000000e+00> : vector<128x128xf32>
    %dot_general3A_25 = tpu.matmul %div3A_20, %get3A_23, %dot_general3A_24 {dimension_numbers = #tpu.dot_dimension_numbers<[1], [0], [0], [1], [0, 0, 1, 1], [], []>, precision = #tpu.contract_precision<fp32>, transpose_lhs_hint = false} : vector<128x128xf32>, vector<128x128xf32>, vector<128x128xf32> -> vector<128x128xf32>
    %get3A_26 = arith.constant 0 : index
    %get3A_27 = arith.constant 0 : index
    %get3A_28 = vector.load %arg1[%get3A_26, %get3A_27] : memref<128x128xf32, #tpu.memory_space<vmem>>, vector<128x128xf32>
    %get3A_29 = arith.constant 0 : index
    %get3A_30 = arith.constant 0 : index
    %get3A_31 = vector.load %arg5[%get3A_29, %get3A_30] : memref<128x128xf32, #tpu.memory_space<vmem>>, vector<128x128xf32>
    %dot_general3A_32 = arith.constant dense<0.000000e+00> : vector<128x128xf32>
    %dot_general3A_33 = tpu.matmul %get3A_28, %get3A_31, %dot_general3A_32 {dimension_numbers = #tpu.dot_dimension_numbers<[1], [0], [0], [1], [0, 0, 1, 1], [], []>, precision = #tpu.contract_precision<fp32>, transpose_lhs_hint = false} : vector<128x128xf32>, vector<128x128xf32>, vector<128x128xf32> -> vector<128x128xf32>
    %add3A_34 = arith.addf %dot_general3A_25, %dot_general3A_33 : vector<128x128xf32>
    %get3A_35 = arith.constant 0 : index
    %get3A_36 = arith.constant 0 : index
    %get3A_37 = vector.load %arg6[%get3A_35, %get3A_36] : memref<1x128xf32, #tpu.memory_space<vmem>>, vector<1x128xf32>
    %add3A_38 = vector.broadcast %get3A_37 : vector<1x128xf32> to vector<128x128xf32>
    %add3A_39 = arith.addf %add3A_34, %add3A_38 : vector<128x128xf32>
    %tanh3A = math.tanh %add3A_39 : vector<128x128xf32>
    %swap3A = arith.constant 0 : index
    %swap3A_40 = arith.constant 0 : index
    %swap3A_41 = vector.load %arg7[%swap3A, %swap3A_40] : memref<128x128xf32, #tpu.memory_space<vmem>>, vector<128x128xf32>
    tpu.vector_store %arg7[%swap3A, %swap3A_40], %tanh3A {strides = array<i32>} : memref<128x128xf32, #tpu.memory_space<vmem>>, vector<128x128xf32>,
    return
  }
  func.func @transform_0(%arg0: i32) -> (i32, i32) {
    %c0_i32 = arith.constant 0 : i32
    %c0_i32_0 = arith.constant 0 : i32
    return %arg0, %c0_i32 : i32, i32
  }
  func.func @transform_1(%arg0: i32) -> (i32, i32, i32) {
    %c0_i32 = arith.constant 0 : i32
    %c0_i32_0 = arith.constant 0 : i32
    %c0_i32_1 = arith.constant 0 : i32
    return %c0_i32, %arg0, %c0_i32_0 : i32, i32, i32
  }
  func.func @transform_2(%arg0: i32) -> (i32, i32, i32, i32) {
    %c0_i32 = arith.constant 0 : i32
    %c0_i32_0 = arith.constant 0 : i32
    %c0_i32_1 = arith.constant 0 : i32
    %c0_i32_2 = arith.constant 0 : i32
    return %c0_i32, %arg0, %c0_i32_0, %c0_i32_1 : i32, i32, i32, i32
  }
  func.func @transform_3(%arg0: i32) -> (i32, i32) {
    %c0_i32 = arith.constant 0 : i32
    %c0_i32_0 = arith.constant 0 : i32
    %c0_i32_1 = arith.constant 0 : i32
    return %c0_i32, %c0_i32_0 : i32, i32
  }
  func.func @transform_4(%arg0: i32) -> (i32, i32) {
    %c0_i32 = arith.constant 0 : i32
    %c0_i32_0 = arith.constant 0 : i32
    %c0_i32_1 = arith.constant 0 : i32
    return %c0_i32, %c0_i32_0 : i32, i32
  }
  func.func @transform_5(%arg0: i32) -> (i32, i32) {
    %c0_i32 = arith.constant 0 : i32
    %c0_i32_0 = arith.constant 0 : i32
    %c0_i32_1 = arith.constant 0 : i32
    return %c0_i32, %c0_i32_0 : i32, i32
  }
  func.func @transform_6(%arg0: i32) -> (i32, i32) {
    %c0_i32 = arith.constant 0 : i32
    %c0_i32_0 = arith.constant 0 : i32
    return %arg0, %c0_i32 : i32, i32
  }
}

module attributes {stable_mosaic.version = 14 : i64} {
  func.func @body(%arg0: i32, %arg1: memref<128x128xf32, #tpu.memory_space<vmem>>, %arg2: memref<2x128x128xf32, #tpu.memory_space<vmem>>, %arg3: memref<32x1x1x128xf32, #tpu.memory_space<vmem>>, %arg4: memref<128x128xf32, #tpu.memory_space<vmem>>, %arg5: memref<128x128xf32, #tpu.memory_space<vmem>>, %arg6: memref<1x128xf32, #tpu.memory_space<vmem>>, %arg7: memref<128x128xf32, #tpu.memory_space<vmem>>) attributes {dimension_semantics = [#tpu.dimension_semantics<arbitrary>], iteration_bounds = array<i64: 79>, scalar_prefetch = 0 : i64, scratch_operands = 0 : i64, tpu.core_type = #tpu.core_type<tc>, window_params = [{transform_indices = @transform_0, window_bounds = array<i64: 128, 128>}, {transform_indices = @transform_1, window_bounds = array<i64: 2, 128, 128>}, {transform_indices = @transform_2, window_bounds = array<i64: 32, 1, 1, 128>}, {pipeline_mode = #tpu.pipeline_mode<synchronous>, transform_indices = @transform_3, window_bounds = array<i64: 128, 128>}, {pipeline_mode = #tpu.pipeline_mode<synchronous>, transform_indices = @transform_4, window_bounds = array<i64: 128, 128>}, {pipeline_mode = #tpu.pipeline_mode<synchronous>, transform_indices = @transform_5, window_bounds = array<i64: 1, 128>}, {transform_indices = @transform_6, window_bounds = array<i64: 128, 128>}]} {
    %get3A = arith.constant 0 : index
    %get3A_0 = arith.constant 0 : index
    %get3A_1 = arith.constant 0 : index
    %get3A_2 = vector.load %arg2[%get3A, %get3A_0, %get3A_1] : memref<2x128x128xf32, #tpu.memory_space<vmem>>, vector<1x128x128xf32>
    %get3A_3 = vector.shape_cast %get3A_2 : vector<1x128x128xf32> to vector<128x128xf32>
    %get3A_4 = arith.constant 1 : index
    %get3A_5 = arith.constant 0 : index
    %get3A_6 = arith.constant 0 : index
    %get3A_7 = vector.load %arg2[%get3A_4, %get3A_5, %get3A_6] : memref<2x128x128xf32, #tpu.memory_space<vmem>>, vector<1x128x128xf32>
    %get3A_8 = vector.shape_cast %get3A_7 : vector<1x128x128xf32> to vector<128x128xf32>
    %add3A = arith.addf %get3A_3, %get3A_8 : vector<128x128xf32>
    %get3A_9 = arith.constant 0 : index
    %get3A_10 = arith.constant 0 : index
    %get3A_11 = arith.constant 0 : index
    %get3A_12 = arith.constant 0 : index
    %get3A_13 = vector.load %arg3[%get3A_9, %get3A_10, %get3A_11, %get3A_12] : memref<32x1x1x128xf32, #tpu.memory_space<vmem>>, vector<32x1x1x128xf32>
    %reduce_sum3A = arith.constant dense<0.000000e+00> : vector<1x1x128xf32>
    %reduce_sum3A_14 = vector.multi_reduction <add>, %get3A_13, %reduce_sum3A [0] : vector<32x1x1x128xf32> to vector<1x1x128xf32>
    %squeeze3A = vector.shape_cast %reduce_sum3A_14 : vector<1x1x128xf32> to vector<1x128xf32>
    %iota3A = tpu.iota {dimensions = array<i32: 0>} : vector<128x128xi32>
    %iota3A_15 = tpu.iota {dimensions = array<i32: 1>} : vector<128x128xi32>
    %eq3A = arith.cmpi eq, %iota3A, %iota3A_15 : vector<128x128xi32>
    %convert_element_type3A = arith.extui %eq3A : vector<128x128xi1> to vector<128x128xi32>
    %convert_element_type3A_16 = arith.sitofp %convert_element_type3A : vector<128x128xi32> to vector<128x128xf32>
    %dot_general3A = arith.constant dense<0.000000e+00> : vector<128x1xf32>
    %dot_general3A_17 = tpu.matmul %convert_element_type3A_16, %squeeze3A, %dot_general3A {dimension_numbers = #tpu.dot_dimension_numbers<[1], [1], [0], [0], [0, 0, 1, 0], [], []>, transpose_lhs_hint = false} : vector<128x128xf32>, vector<1x128xf32>, vector<128x1xf32> -> vector<128x1xf32>
    %max3A = arith.constant 1.000000e+00 : f32
    %max3A_18 = vector.broadcast %max3A : f32 to vector<128x1xf32>
    %max3A_19 = arith.maximumf %dot_general3A_17, %max3A_18 : vector<128x1xf32>
    %div3A = vector.broadcast %max3A_19 : vector<128x1xf32> to vector<128x128xf32>
    %div3A_20 = arith.divf %add3A, %div3A : vector<128x128xf32>
    %get3A_21 = arith.constant 0 : index
    %get3A_22 = arith.constant 0 : index
    %get3A_23 = vector.load %arg4[%get3A_21, %get3A_22] : memref<128x128xf32, #tpu.memory_space<vmem>>, vector<128x128xf32>
    %dot_general3A_24 = arith.constant dense<0.000000e+00> : vector<128x128xf32>
    %dot_general3A_25 = tpu.matmul %div3A_20, %get3A_23, %dot_general3A_24 {dimension_numbers = #tpu.dot_dimension_numbers<[1], [0], [0], [1], [0, 0, 1, 1], [], []>, precision = #tpu.contract_precision<fp32>, transpose_lhs_hint = false} : vector<128x128xf32>, vector<128x128xf32>, vector<128x128xf32> -> vector<128x128xf32>
    %get3A_26 = arith.constant 0 : index
    %get3A_27 = arith.constant 0 : index
    %get3A_28 = vector.load %arg1[%get3A_26, %get3A_27] : memref<128x128xf32, #tpu.memory_space<vmem>>, vector<128x128xf32>
    %get3A_29 = arith.constant 0 : index
    %get3A_30 = arith.constant 0 : index
    %get3A_31 = vector.load %arg5[%get3A_29, %get3A_30] : memref<128x128xf32, #tpu.memory_space<vmem>>, vector<128x128xf32>
    %dot_general3A_32 = arith.constant dense<0.000000e+00> : vector<128x128xf32>
    %dot_general3A_33 = tpu.matmul %get3A_28, %get3A_31, %dot_general3A_32 {dimension_numbers = #tpu.dot_dimension_numbers<[1], [0], [0], [1], [0, 0, 1, 1], [], []>, precision = #tpu.contract_precision<fp32>, transpose_lhs_hint = false} : vector<128x128xf32>, vector<128x128xf32>, vector<128x128xf32> -> vector<128x128xf32>
    %add3A_34 = arith.addf %dot_general3A_25, %dot_general3A_33 : vector<128x128xf32>
    %get3A_35 = arith.constant 0 : index
    %get3A_36 = arith.constant 0 : index
    %get3A_37 = vector.load %arg6[%get3A_35, %get3A_36] : memref<1x128xf32, #tpu.memory_space<vmem>>, vector<1x128xf32>
    %add3A_38 = vector.broadcast %get3A_37 : vector<1x128xf32> to vector<128x128xf32>
    %add3A_39 = arith.addf %add3A_34, %add3A_38 : vector<128x128xf32>
    %tanh3A = math.tanh %add3A_39 : vector<128x128xf32>
    %swap3A = arith.constant 0 : index
    %swap3A_40 = arith.constant 0 : index
    %swap3A_41 = vector.load %arg7[%swap3A, %swap3A_40] : memref<128x128xf32, #tpu.memory_space<vmem>>, vector<128x128xf32>
    tpu.vector_store %arg7[%swap3A, %swap3A_40], %tanh3A {strides = array<i32>} : memref<128x128xf32, #tpu.memory_space<vmem>>, vector<128x128xf32>,
    return
  }
  func.func @transform_0(%arg0: i32) -> (i32, i32) {
    %c0_i32 = arith.constant 0 : i32
    %c0_i32_0 = arith.constant 0 : i32
    return %arg0, %c0_i32 : i32, i32
  }
  func.func @transform_1(%arg0: i32) -> (i32, i32, i32) {
    %c0_i32 = arith.constant 0 : i32
    %c0_i32_0 = arith.constant 0 : i32
    %c0_i32_1 = arith.constant 0 : i32
    return %c0_i32, %arg0, %c0_i32_0 : i32, i32, i32
  }
  func.func @transform_2(%arg0: i32) -> (i32, i32, i32, i32) {
    %c0_i32 = arith.constant 0 : i32
    %c0_i32_0 = arith.constant 0 : i32
    %c0_i32_1 = arith.constant 0 : i32
    %c0_i32_2 = arith.constant 0 : i32
    return %c0_i32, %arg0, %c0_i32_0, %c0_i32_1 : i32, i32, i32, i32
  }
  func.func @transform_3(%arg0: i32) -> (i32, i32) {
    %c0_i32 = arith.constant 0 : i32
    %c0_i32_0 = arith.constant 0 : i32
    %c0_i32_1 = arith.constant 0 : i32
    return %c0_i32, %c0_i32_0 : i32, i32
  }
  func.func @transform_4(%arg0: i32) -> (i32, i32) {
    %c0_i32 = arith.constant 0 : i32
    %c0_i32_0 = arith.constant 0 : i32
    %c0_i32_1 = arith.constant 0 : i32
    return %c0_i32, %c0_i32_0 : i32, i32
  }
  func.func @transform_5(%arg0: i32) -> (i32, i32) {
    %c0_i32 = arith.constant 0 : i32
    %c0_i32_0 = arith.constant 0 : i32
    %c0_i32_1 = arith.constant 0 : i32
    return %c0_i32, %c0_i32_0 : i32, i32
  }
  func.func @transform_6(%arg0: i32) -> (i32, i32) {
    %c0_i32 = arith.constant 0 : i32
    %c0_i32_0 = arith.constant 0 : i32
    return %arg0, %c0_i32 : i32, i32
  }
}

</mosaic_0001>

<sc_bundles>
// kernel: kernel.6.cloned.1.call-start
scs
__scs_entry_jumppad:
0x0: {  	(pc) =	sbr.rel $0x88, $3  }
0x1: {  	(tag) =	ssettag $0x0;
	lr =	simm.s32 $0x1  }
0x2: {  	[smem:$0x3F99] =	sst lr;
	_ =	strace $0xD0000000  }
0x3: {  	_ = 	snop  }
0x4: {  	_ = 	snop  }
0x5: {  	_ = 	snop  }
0x6: {  	_ = 	snop  }
0x7: {  	_ = 	snop  }
__scs_overlays_trampoline_lowered:
0x8: {  	[smem:$0x3FA8] =	sst s0  }
0x9: {  	[smem:$0x3FA9] =	sst s1  }
0xa: {  	[smem:$0x3FAA] =	sst s2  }
0xb: {  	[smem:$0x3FAB] =	sst s3  }
0xc: {  	[smem:$0x3FAC] =	sst s4  }
0xd: {  	[smem:$0x3FAD] =	sst s5  }
0xe: {  	[smem:$0x3FAE] =	sst s6  }
0xf: {  	[smem:$0x3FAF] =	sst s7  }
0x10: {  	[smem:$0x3FB0] =	sst s8  }
0x11: {  	[smem:$0x3FB1] =	sst s9;
	s0 =	simm.s32 @!p0 $0x0  }
0x12: {  	s1 =	sld [smem:$0x3F97];
	s0 =	simm.s32 @p0 $0x1  }
0x13: {  	[smem:$0x3FB2] =	sst s0;
	s0 =	simm.s32 @!p1 $0x0  }
0x14: {  	s2 =	sld [smem:$0x3F96];
	s0 =	simm.s32 @p1 $0x1  }
0x15: {  	[smem:$0x3FB3] =	sst s0;
	s0 =	simm.s32 @!p2 $0x0  }
0x16: {  	s3 =	sld [smem:$0x3FDB];
	s0 =	simm.s32 @p2 $0x1  }
0x17: {  	s4 =	simm.s32 $0x1BF5;
	[smem:$0x3FB5] =	sst s0  }
0x18: {  	s0 =	sld [smem:$0x3F98];
	_ =	swait.ge [sflag:s4], $0x0  }
0x19: {  	s7 =	sld [smem:$0x3F99]  }
0x1a: {  	s8 =	sadd.s32 $0xFFFFE003, lr  }
0x1b: {  	s9 =	sadd.s32 $0xFFFFFEF7, lr;
	s5 =	simm.s32 $0xFFFFFFFF;
	p2 =	slt.u32 s8, $0xFFFFF086  }
0x1c: {  	p1 =	slt.u32 s9, $0xF7A;
	s5 =	simm.s32 @!p2 $0x0  }
0x1d: {  	s5 =	simm.s32 @p1 $0x1;
	p0 =	seq.s32 s7, s2  }
0x1e: {  	s7 =	smul.u32 @!p0 $0xF7A, s2;
	p2 =	seq.s32 @!p0 s5, $0x0  }
0x1f: {  	s9 =	smul.u32 $0xF7A, s1;
	s8 =	simm.s32 @!p0 $0x1BF5;
	p2 =	por !p2, p0  }
0x20: {  	[sflag:s8] =	ssyncset.s32 @!p0 $0xFFFFF086;
	s6 =	sadd.s32 @!p0 s3, s7;
	s7 =	simm.s32 @!p0 $0x108  }
0x21: {  	s3 =	sadd.s32 s3, s9;
	s6 =	sadd.s32 @!p0 $0x88, s6;
	s7 =	simm.s32 @p2 $0x1082  }
0x22: {  	[simem:s7], [sflag:s8] =	dma.local @!p0 [hbm:s6], $0xF7A  }
0x23: {  	s9 =	sor.u32 $0xD0000000, s2;
	s6 =	simm.s32 $0x108;
	_ =	swait.ge @!p0 [sflag:s8], $0x0  }
0x24: {  	s3 =	sadd.s32 $0x88, s3;
	s6 =	simm.s32 @!p1 $0x1082;
	[sflag:s4] =	ssyncset.s32 $0xFFFFF086  }
0x25: {  	[simem:s6], [sflag:s4] =	dma.local [hbm:s3], $0xF7A  }
0x26: {  	[smem:$0x3F99] =	sst s1;
	(tag) =	ssettag s2;
	_ =	strace s9  }
0x27: {  	s1 =	sld [smem:$0x3FA9]  }
0x28: {  	s2 =	sld [smem:$0x3FAA]  }
0x29: {  	s4 =	sld [smem:$0x3FAC]  }
0x2a: {  	p0 =	seq.s32 s5, $0x0;
	s5 =	sld [smem:$0x3FAD]  }
0x2b: {  	s6 =	sld [smem:$0x3FAE]  }
0x2c: {  	s7 =	sld [smem:$0x3FAF]  }
0x2d: {  	s3 =	simm.s32 $0x108;
	s8 =	sld [smem:$0x3FB0]  }
0x2e: {  	s3 =	simm.s32 @!p0 $0x1082;
	s9 =	sld [smem:$0x3FB1]  }
0x2f: {  	lr =	sadd.s32 s0, s3;
	s0 =	sld [smem:$0x3FA8]  }
0x30: {  	s3 =	sld [smem:$0x3FAB]  }
0x31: {  	[smem:$0x3FB4] =	sst s10  }
0x32: {  	s10 =	sld [smem:$0x3FB2];
	_ =	sdelay $0x3  }
0x33: {  	p0 =	seq.s32 s10, $0x1;
	s10 =	sld [smem:$0x3FB4];
	_ =	sdelay $0x3  }
0x34: {  	[smem:$0x3FB4] =	sst s10  }
0x35: {  	s10 =	sld [smem:$0x3FB3];
	_ =	sdelay $0x3  }
0x36: {  	p1 =	seq.s32 s10, $0x1;
	s10 =	sld [smem:$0x3FB4];
	_ =	sdelay $0x3  }
0x37: {  	[smem:$0x3FB4] =	sst s10  }
0x38: {  	s10 =	sld [smem:$0x3FB5]  }
0x39: {  	_ = 	snop;
	(pc) =	sbr.ind lr, $3  }
0x3a: {  	_ = 	snop  }
0x3b: {  	_ = 	snop  }
0x3c: {  	p2 =	seq.s32 s10, $0x1;
	s10 =	sld [smem:$0x3FB4]  }
0x3d: {  	_ =	shalt  }
0x3e: {  	_ =	shalt  }
0x3f: {  	_ =	shalt  }
0x40: {  	_ =	shalt  }
0x41: {  	_ =	shalt  }
0x42: {  	_ =	shalt  }
0x43: {  	_ =	shalt  }
0x44: {  	_ =	shalt  }
0x45: {  	_ =	shalt  }
0x46: {  	_ =	shalt  }
0x47: {  	_ =	shalt  }
0x48: {  	_ =	shalt  }
0x49: {  	_ =	shalt  }
0x4a: {  	_ =	shalt  }
0x4b: {  	_ =	shalt  }
0x4c: {  	_ =	shalt  }
0x4d: {  	_ =	shalt  }
0x4e: {  	_ =	shalt  }
0x4f: {  	_ =	shalt  }
0x50: {  	_ =	shalt  }
0x51: {  	_ =	shalt  }
0x52: {  	_ =	shalt  }
0x53: {  	_ =	shalt  }
0x54: {  	_ =	shalt  }
0x55: {  	_ =	shalt  }
0x56: {  	_ =	shalt  }
0x57: {  	_ =	shalt  }
0x58: {  	_ =	shalt  }
0x59: {  	_ =	shalt  }
0x5a: {  	_ =	shalt  }
0x5b: {  	_ =	shalt  }
0x5c: {  	_ =	shalt  }
0x5d: {  	_ =	shalt  }
0x5e: {  	_ =	shalt  }
0x5f: {  	_ =	shalt  }
0x60: {  	_ =	shalt  }
0x61: {  	_ =	shalt  }
0x62: {  	_ =	shalt  }
0x63: {  	_ =	shalt  }
0x64: {  	_ =	shalt  }
0x65: {  	_ =	shalt  }
0x66: {  	_ =	shalt  }
0x67: {  	_ =	shalt  }
0x68: {  	_ =	shalt  }
0x69: {  	_ =	shalt  }
0x6a: {  	_ =	shalt  }
0x6b: {  	_ =	shalt  }
0x6c: {  	_ =	shalt  }
0x6d: {  	_ =	shalt  }
0x6e: {  	_ =	shalt  }
0x6f: {  	_ =	shalt  }
0x70: {  	_ =	shalt  }
0x71: {  	_ =	shalt  }
0x72: {  	_ =	shalt  }
0x73: {  	_ =	shalt  }
0x74: {  	_ =	shalt  }
0x75: {  	_ =	shalt  }
0x76: {  	_ =	shalt  }
0x77: {  	_ =	shalt  }
0x78: {  	_ =	shalt  }
0x79: {  	_ =	shalt  }
0x7a: {  	_ =	shalt  }
0x7b: {  	_ =	shalt  }
0x7c: {  	_ =	shalt  }
0x7d: {  	_ =	shalt  }
0x7e: {  	_ =	shalt  }
0x7f: {  	_ =	shalt  }
0x80: {  	_ =	shalt  }
0x81: {  	_ =	shalt  }
0x82: {  	_ =	shalt  }
0x83: {  	_ =	shalt  }
0x84: {  	_ =	shalt  }
0x85: {  	_ =	shalt  }
0x86: {  	_ =	shalt  }
0x87: {  	_ =	shalt  }
.Lfunc_end0:
.L_simem_size_0:
called_computation_lowered:
.L_overlay_start_0:
0x88: {  	s2 =	sld [smem:$0x3FD9]  }
0x89: {  	s3 =	sld [smem:$0x3FFE];
	_ =	sdelay $0x1  }
0x8a: {  	s1 =	srdreg.scid  }
0x8b: {  	s0 =	sand.u32 $0x1, s1  }
0x8c: {  	s17 =	sshll.u32 s0, $0xA;
	s2 =	sadd.s32 s3, s2  }
0x8d: {  	s2 =	sadd.s32 s2, s17  }
0x8e: {  	[smem:$0x3FC0] =	sst s2  }
0x8f: {  	_ = 	snop  }
0x90: {  	s2 =	sld [smem:$0x3FC9]  }
0x91: {  	s18 =	sld [smem:$0x3FD0];
	(tm) =	ssettm $0x1  }
0x92: {  	s4 =	sld [smem:$0x3FFB];
	_ =	sdelay $0x3  }
0x93: {  	_ =	strace s4  }
0x94: {  	s4 =	sld [smem:$0x3FFC];
	_ =	sdelay $0x3  }
0x95: {  	_ =	strace s4  }
0x96: {  	s4 =	sld [smem:$0x3FFD];
	_ =	sdelay $0x3  }
0x97: {  	_ =	strace s4  }
0x98: {  	_ =	strace $0x8FFFFFFF  }
0x99: {  	s19 =	sld [smem:$0x3FDB];
	_ =	sdelay $0x1  }
0x9a: {  	s5 =	simm.s32 $_scs_section_size  }
0x9b: {  	s6 =	simm.s32 $_size__tile_overlayer_lowered;
	s7 =	simm.s32 $_tile_overlayer_lowered  }
0x9c: {  	s22 =	simm.s32 $0x1BFF;
	s21 =	sshll.u32 s7, $0x1;
	s4 =	sadd.s32 s5, s19  }
0x9d: {  	s8 =	simm.s32 $0x0;
	s20 =	sshll.u32 s6, $0x1;
	s6 =	sadd.s32 s21, s4  }
0x9e: {  	[timem:s8], [sflag:s22] =	dma.local [hbm:s6], s20  }
0x9f: {  	_ =	swait.ge [sflag:s22], s20  }
0xa0: {  	s5 =	ssub.s32 $0x0, s20;
	[sflag:s22] =	ssyncset.done $0x0  }
0xa1: {  	[sflag:s22] =	ssyncadd.s32 s5;
	_ =	sdelay $0x1  }
0xa2: {  	s23 =	simm.s32 $0x1B8B  }
0xa3: {  	_ =	swait.ge [sflag:s23], $0x1  }
0xa4: {  	[sflag:s23] =	ssyncset.done $0x0  }
0xa5: {  	s25 =	simm.s32 $0x1B8E;
	s24 =	sld [smem:$0x3FFE];
	[sflag:s23] =	ssyncadd.s32 $0xFFFFFFFF  }
0xa6: {  	s26 =	simm.s32 $execute0_lowered;
	[smem:$0x3FD2] =	sst s25  }
0xa7: {  	s6 =	sshll.u32 s26, $0x1;
	_ =	strace $0x80000046;
	[dreg:$0x1] =	wrdreg $0xFFFFFFFF  }
0xa8: {  	s28 =	simm.s32 $_size_execute0_lowered;
	s4 =	sadd.s32 s4, s6;
	[dreg:$0x0] =	wrdreg $0x0  }
0xa9: {  	s6 =	sshll.u32 s28, $0x1;
	[dreg:$0x2] =	wrdreg s4  }
0xaa: {  	[dreg:$0x3] =	wrdreg s6  }
0xab: {  	[dreg:$0x4] =	wrdreg $0xC0  }
0xac: {  	_ =	task [dreg:s8], $0x5FFFF  }
0xad: {  	[dreg:$0x1] =	wrdreg $0xFFFFFFFF  }
0xae: {  	[dreg:$0x0] =	wrdreg $0x60  }
0xaf: {  	[dreg:$0x2] =	wrdreg s2  }
0xb0: {  	[dreg:$0x3] =	wrdreg s24  }
0xb1: {  	[dreg:$0x4] =	wrdreg s18  }
0xb2: {  	[dreg:$0x5] =	wrdreg $0x5E000  }
0xb3: {  	[dreg:$0x6] =	wrdreg $0x9  }
0xb4: {  	_ =	task.clear_ibuf [dreg:s8], $0x7FFFF;
	_ =	strace $0x90000046  }
0xb5: {  	s29 =	simm.s32 $0x9;
	_ =	strace $0x80000048  }
0xb6: {  	_ =	swait.ge [sflag:s29], $0x1  }
0xb7: {  	[sflag:s29] =	ssyncadd.s32 $0xFFFFFFFF  }
0xb8: {  	_ =	strace $0x90000048  }
0xb9: {  	_ =	sfence  }
0xba: {  	s30 =	sld [smem:$0x0];
	_ =	sdelay $0x2  }
0xbb: {  	s31 =	sshll.u32 s1, $0xD;
	s1 =	sshrl.u32 s1, $0x2  }
0xbc: {  	s3 =	sand.u32 $0x4000, s31;
	s1 =	sadd.s32 s1, s30  }
0xbd: {  	s0 =	sor.u32 s3, s0;
	s1 =	sshll.u32 s1, $0x11  }
0xbe: {  	s0 =	sor.u32 s1, s0  }
0xbf: {  	s0 =	sadd.s32 $0x8F2B, s0  }
0xc0: {  	[sflag:s0] =	ssyncadd.remote.s32 $0x1  }
0xc1: {  	_ =	sfence.sel $0xFFFF  }
0xc2: {  	[dreg:$0x0] =	wrdreg $0xFFFFFFFF;
	(pc) =	sbr.abs _section_cstart, $3  }
0xc3: {  	[dreg:$0x1] =	wrdreg $0xFFFFFFFF  }
0xc4: {  	_ =	task.clear_ibuf [dreg:s8], $0x2FFFF;
	_ =	strace $0x9FFFFFFF  }
0xc5: {  	(tm) =	ssettm $0x7FFFFFFF  }
tec
execute0_lowered:
.L_overlay_start_1:
0x0: {  	(tag) =	ssettag $0x1  }
0x1: {  	s1 =	rddreg [dreg:$0x0]  }
0x2: {  	s5 =	rddreg [dreg:$0x1]  }
0x3: {  	s12 =	rddreg [dreg:$0x2]  }
0x4: {  	s0 =	srdreg.scid;
	s3 =	rddreg [dreg:$0x3]  }
0x5: {  	s4 =	simm.s32 $0x0;
	s20 =	simm.s32 $0x100;
	s9 =	sand.u32 $0x1, s0  }
0x6: {  	s21 =	simm.s32 $0x50;
	s0 =	stileid.u32;
	s6 =	smul.u32 $0x27100, s9  }
0x7: {  	s22 =	simm.s32 $0x200;
	s23 =	simm.s32 $0x1;
	s7 =	smul.u32 $0x2710, s0  }
0x8: {  	s24 =	simm.s32 $0x19680;
	s28 =	simm.s32 $0x0;
	s25 =	smul.u32 $0x4E000, s0  }
0x9: {  	[smem:$0x7FF] =	sst s4;
	s14 =	sadd.s32 $0x15C00, s5;
	s11 =	smul.u32 $0x28000, s9  }
0xa: {  	_ =	strace $0x80000047;
	s26 =	ssub.s32 $0x2, s9;
	s16 =	smul.u32 $0x138800, s9  }
0xb: {  	s30 =	sshrl.u32 s0, $0x3;
	s18 =	sshll.u32 s0, $0x7;
	s19 =	smul.u32 $0x13800, s0  }
0xc: {  	p0 =	sne.s32 s0, $0xF;
	s8 =	sshrl.u32 s26, $0x1;
	s13 =	smul.u32 $0x14000, s30  }
0xd: {  	s18 =	sand.u32 $0x380, s18;
	s6 =	sadd.s32 s7, s6;
	s29 =	sshrl.u32 s25, $0x2  }
0xe: {  	s15 =	ssub.s32 s26, s8;
	s31 =	sadd.s32 s19, s16;
	s16 =	sshrl.u32 s16, $0x3  }
0xf: {  	s19 =	simm.s32 $0x2;
	s25 =	simm.s32 $0x80;
	s26 =	simm.s32 $0x400  }
0x10: {  	s6 =	sshrl.u32 s6, $0x3;
	s13 =	sadd.s32 s11, s13;
	s11 =	sadd.s32 $0x138000, s3  }
0x11: {  	s15 =	smax.u32 s15, $0x1;
	s17 =	sadd.s32 s6, s5;
	s5 =	sadd.s32 s29, s3  }
0x12: {  	s13 =	sor.u32 s18, s13;
	s18 =	sshrl.u32 s31, $0x3;
	s6 =	sadd.s32 $0x3400, s5  }
0x13: {  	s7 =	sadd.s32 $0x6800, s5;
	s8 =	sadd.s32 $0x9C00, s5;
	s13 =	sshrl.u32 s13, $0x3  }
0x14: {  	s9 =	sadd.s32 $0xD000, s5;
	s10 =	sadd.s32 $0x10400, s5;
	s12 =	sadd.s32 s12, s13  }
0x15: {  	s13 =	sadd.s32 s14, s18;
	s14 =	sadd.s32 s14, s16;
	s16 =	sadd.s32 $0x2000, s17  }
0x16: {  	v0 =	vimm.f32 $0.0e+00;
	v1 =	vimm.f32 $1.000000000e+00;
	s17 =	sadd.s32 $0xBE00, s17;
	s18 =	simm.s32 $0x2A00;
	s14 =	sadd.s32 $0x27000, s14  }
.LBB2_1:
0x17: {  	s29 =	sand.u32 $0xFE00, s4  }
0x18: {  	s30 =	sand.u32 $0x70, s4;
	s31 =	sshrl.u32 s29, $0x2  }
0x19: {  	s29 =	simm.s32 $0x40;
	s31 =	sor.u32 s30, s31;
	s30 =	simm.s32 $0x0  }
.LBB2_2:
0x1a: {  	p1 =	sne.s32 s29, $0xCFC0  }
0x1b: {  	[tilespmem:s31+$0x2A00] =	vst v0;
	s30 =	sadd.s32 $0x10, s30;
	s31 =	smov.u32 s29;
	s29 =	sadd.s32 $0x40, s29  }
.Ltmp0:
0x1c: {  	(pc) =	sbr.rel @p1 .LBB2_2-.Ltmp0, $4  }
0x1d: {  	_ = 	snop  }
0x1e: {  	s31 =	sand.u32 $0xFE00, s31  }
0x1f: {  	s2 =	sand.u32 $0x70, s30;
	s31 =	sshrl.u32 s31, $0x2  }
0x20: {  	s31 =	sor.u32 s2, s31  }
0x21: {  	[tilespmem:s31+$0x2A00] =	vst v0  }
0x22: {  	[spmem:s5] =	stream.linear.scatter [tilespmem:s18], [sflag:$0x2], $0x3400, $0x38;
	[tilespmem:$0x1BE80] =	vst v63  }
0x23: {  	_ =	swait.ge [sflag:s19], $0x3400  }
0x24: {  	[sflag:s19] =	ssyncset.done $0x0  }
0x25: {  	[sflag:s19] =	ssyncadd.s32 $0xFFFFCC00  }
0x26: {  	[spmem:s6] =	stream.linear.scatter [tilespmem:s18], [sflag:$0x2], $0x3400, $0x38;
	[tilespmem:$0x1BE80] =	vst v63  }
0x27: {  	_ =	swait.ge [sflag:s19], $0x3400  }
0x28: {  	[sflag:s19] =	ssyncset.done $0x0  }
0x29: {  	[sflag:s19] =	ssyncadd.s32 $0xFFFFCC00  }
0x2a: {  	[spmem:s7] =	stream.linear.scatter [tilespmem:s18], [sflag:$0x2], $0x3400, $0x38;
	[tilespmem:$0x1BE80] =	vst v63  }
0x2b: {  	_ =	swait.ge [sflag:s19], $0x3400  }
0x2c: {  	[sflag:s19] =	ssyncset.done $0x0  }
0x2d: {  	[sflag:s19] =	ssyncadd.s32 $0xFFFFCC00  }
0x2e: {  	[spmem:s8] =	stream.linear.scatter [tilespmem:s18], [sflag:$0x2], $0x3400, $0x38;
	[tilespmem:$0x1BE80] =	vst v63  }
0x2f: {  	_ =	swait.ge [sflag:s19], $0x3400  }
0x30: {  	[sflag:s19] =	ssyncset.done $0x0  }
0x31: {  	[sflag:s19] =	ssyncadd.s32 $0xFFFFCC00  }
0x32: {  	[spmem:s9] =	stream.linear.scatter [tilespmem:s18], [sflag:$0x2], $0x3400, $0x38;
	[tilespmem:$0x1BE80] =	vst v63  }
0x33: {  	_ =	swait.ge [sflag:s19], $0x3400  }
0x34: {  	[sflag:s19] =	ssyncset.done $0x0  }
0x35: {  	[sflag:s19] =	ssyncadd.s32 $0xFFFFCC00  }
0x36: {  	[spmem:s10] =	stream.linear.scatter [tilespmem:s18], [sflag:$0x2], $0x3400, $0x38;
	[tilespmem:$0x1BE80] =	vst v63  }
0x37: {  	_ =	swait.ge [sflag:s19], $0x3400  }
0x38: {  	[sflag:s19] =	ssyncset.done $0x0  }
0x39: {  	s2 =	simm.s32 @!p0 $0x2A00;
	[sflag:s19] =	ssyncadd.s32 $0xFFFFCC00  }
0x3a: {  	[spmem:s11] =	stream.linear.scatter @!p0 [tilespmem:s2], [sflag:$0x2], $0x800, $0x38;
	[tilespmem:$0x1BE80] =	vst v63  }
0x3b: {  	s2 =	simm.s32 @!p0 $0x2  }
0x3c: {  	_ =	swait.ge @!p0 [sflag:s2], $0x800  }
0x3d: {  	[sflag:s2] =	ssyncset.done @!p0 $0x0  }
0x3e: {  	s29 =	simm.s32 $0x40;
	s30 =	simm.s32 $0x0;
	[sflag:s2] =	ssyncadd.s32 @!p0 $0xFFFFF800  }
.LBB2_4:
0x3f: {  	p1 =	sne.s32 s29, $0x9FC0;
	[tilespmem:s30+$0x19680] =	vst v0;
	s2 =	smov.u32 s29;
	s29 =	sadd.s32 $0x40, s29  }
.Ltmp1:
0x40: {  	(pc) =	sbr.rel @p1 .LBB2_4-.Ltmp1, $2  }
0x41: {  	_ =	sdelay $0x2  }
0x42: {  	s30 =	sshra.s32 s2, $0x2  }
0x43: {  	[tilespmem:s30+$0x19680] =	vst v0  }
0x44: {  	s29 =	simm.s32 $0x0;
	[bflag:$0x0] =	sbarrier.arrive $0xFFFF  }
.LBB2_6:
0x45: {  	s2 =	sadd.s32 s29, s17  }
0x46: {  	[tilespmem:s4], [sflag:$0x2] =	stream.linear.gather [hbm4b:s2+s4], $0x50, $0x38;
	[tilespmem:$0x1BE80] =	vst v63  }
0x47: {  	_ =	swait.ge [sflag:s19], $0x50  }
0x48: {  	[sflag:s19] =	ssyncset.done $0x0  }
0x49: {  	s31 =	sadd.s32 s29, s16;
	[sflag:s19] =	ssyncadd.s32 $0xFFFFFFB0  }
0x4a: {  	[tilespmem:s20], [sflag:$0x2] =	stream.linear.gather [hbm4b:s31+s4], $0x50, $0x38;
	[tilespmem:$0x1BE80] =	vst v63  }
0x4b: {  	_ =	swait.ge [sflag:s19], $0x50  }
0x4c: {  	[sflag:s19] =	ssyncset.done $0x0  }
0x4d: {  	[sflag:s19] =	ssyncadd.s32 $0xFFFFFFB0  }
0x4e: {  	[tilespmem:s22], [sflag:$0x1] =	stream.indirect.gather [hbm4b:s1+s21], $0x80, s4, s21, $0xb8;
	[tilespmem:$0x1BE80] =	vst v63  }
0x4f: {  	_ =	swait.ge [sflag:s23], $0x2800  }
0x50: {  	[sflag:s23] =	ssyncset.done $0x0  }
0x51: {  	[sflag:s23] =	ssyncadd.s32 $0xFFFFD800  }
0x52: {  	[spmem:s3] =	stream.indirect.scatter.add.f32 [tilespmem:s22], [sflag:$0x2], $0x80, s20, s21, $0xb8;
	[tilespmem:$0x1BE80] =	vst v63  }
0x53: {  	_ =	swait.ge [sflag:s19], $0x2800  }
0x54: {  	[sflag:s19] =	ssyncset.done $0x0  }
0x55: {  	[sflag:s19] =	ssyncadd.s32 $0xFFFFD800  }
0x56: {  	v2 =	vld [tilespmem:$0x100];
	_ =	sdelay $0x7  }
0x57: {  	[tilespmem:v2+s24+$0x0] =	vst.idx.add.f32.msk $0xffff, v1  }
0x58: {  	v2 =	vld [tilespmem:$0x110];
	_ =	sdelay $0x7  }
0x59: {  	[tilespmem:v2+s24+$0x0] =	vst.idx.add.f32.msk $0xffff, v1  }
0x5a: {  	v2 =	vld [tilespmem:$0x120];
	_ =	sdelay $0x7  }
0x5b: {  	[tilespmem:v2+s24+$0x0] =	vst.idx.add.f32.msk $0xffff, v1  }
0x5c: {  	v2 =	vld [tilespmem:$0x130];
	_ =	sdelay $0x7  }
0x5d: {  	[tilespmem:v2+s24+$0x0] =	vst.idx.add.f32.msk $0xffff, v1  }
0x5e: {  	v2 =	vld [tilespmem:$0x140];
	_ =	sdelay $0x2  }
0x5f: {  	p1 =	sne.s32 s29, $0x4D8  }
.Ltmp2:
0x60: {  	_ = 	snop;
	(pc) =	sbr.rel @p1 .LBB2_6-.Ltmp2, $2  }
0x61: {  	_ =	sdelay $0x2  }
0x62: {  	s29 =	sadd.s32 $0xA, s29;
	[tilespmem:v2+s24+$0x0] =	vst.idx.add.f32.msk $0xffff, v1  }
0x63: {  	[hbm4b:s12+s25] =	stream.strided.scatter [tilespmem:s24], [sflag:$0x2], $0x2800, s26, s25, $0x38;
	[tilespmem:$0x1BE80] =	vst v63  }
0x64: {  	_ =	swait.ge [sflag:s19], $0x2800  }
0x65: {  	[sflag:s19] =	ssyncset.done $0x0  }
0x66: {  	s2 =	sshll.u32 s0, $0x6;
	[sflag:s19] =	ssyncadd.s32 $0xFFFFD800  }
0x67: {  	s29 =	sshrl.u32 s5, $0x3;
	s2 =	sor.u32 $0x1C02, s2;
	[bflag:$0x0] =	sbarrier.arrive $0xFFFF  }
0x68: {  	[hbm:s13], [sflag:s2] =	dma.local [spmem:s29], $0x2700  }
0x69: {  	_ =	swait.ge [sflag:s19], $0x2700  }
0x6a: {  	s28 =	sadd.s32 $0x1, s28;
	[sflag:s19] =	ssyncset.done $0x0  }
0x6b: {  	p1 =	sne.s32 s28, s15;
	s29 =	sshrl.u32 @!p0 s11, $0x3;
	[sflag:s19] =	ssyncadd.s32 $0xFFFFD900  }
0x6c: {  	[hbm:s14], [sflag:s2] =	dma.local @!p0 [spmem:s29], $0x100  }
.Ltmp3:
0x6d: {  	_ = 	snop;
	(pc) =	sbr.rel @p1 .LBB2_1-.Ltmp3, $4  }
0x6e: {  	s2 =	simm.s32 @!p0 $0x2  }
0x6f: {  	_ =	swait.ge @!p0 [sflag:s2], $0x100  }
0x70: {  	[sflag:s2] =	ssyncset.done @!p0 $0x0  }
0x71: {  	[sflag:s2] =	ssyncadd.s32 @!p0 $0xFFFFFF00  }
0x72: {  	_ =	sfence.sel $0x180000  }
0x73: {  	[bflag:$0x0] =	sbarrier.arrive $0xFFFF  }
0x74: {  	_ =	strace $0x90000047  }
0x75: {  	[bflag:$0x2] =	sbarrier.arrive $0xFFFF  }
0x76: {  	p0 =	sne.s32 s0, $0x0;
	s0 =	rddreg [dreg:$0x4]  }
0x77: {  	s0 =	sadd.s32 @!p0 $0x100000, s0  }
0x78: {  	[sflag:s0] =	ssyncadd.tile.s32 @!p0 $0x1;
	_ =	shalt  }
.Lfunc_end2:
_tile_overlayer_lowered:
.L_overlay_start_2:
0x79: {  	(tag) =	ssettag $0x2  }
0x7a: {  	s0 =	rddreg [dreg:$0x0];
	s2 =	stileid.u32  }
0x7b: {  	s1 =	rddreg [dreg:$0x1];
	p0 =	sne.s32 s2, $0x0  }
0x7c: {  	s3 =	rddreg [dreg:$0x2];
	[bflag:$0x3] =	sbarrier.arrive $0xFFFF;
	s2 =	simm.s32 @!p0 $0x1C02  }
0x7d: {  	[timem:s3], [sflag:s2] =	dma.local @!p0 [hbm:s0], s1  }
0x7e: {  	s0 =	simm.s32 @!p0 $0x2  }
0x7f: {  	_ =	swait.ge @!p0 [sflag:s0], s1  }
0x80: {  	s1 =	ssub.s32 @!p0 $0x0, s1;
	[sflag:s0] =	ssyncset.done @!p0 $0x0  }
0x81: {  	[sflag:s0] =	ssyncadd.s32 @!p0 s1  }
0x82: {  	[bflag:$0x3] =	sbarrier.arrive $0xFFFF  }
0x83: {  	_ =	shalt  }

// kernel: kernel.9.cloned.1.call-start
scs
__scs_entry_jumppad:
0x0: {  	(pc) =	sbr.rel $0x88, $3  }
0x1: {  	(tag) =	ssettag $0x0;
	lr =	simm.s32 $0x1  }
0x2: {  	[smem:$0x3F99] =	sst lr;
	_ =	strace $0xD0000000  }
0x3: {  	_ = 	snop  }
0x4: {  	_ = 	snop  }
0x5: {  	_ = 	snop  }
0x6: {  	_ = 	snop  }
0x7: {  	_ = 	snop  }
__scs_overlays_trampoline_lowered:
0x8: {  	[smem:$0x3FA8] =	sst s0  }
0x9: {  	[smem:$0x3FA9] =	sst s1  }
0xa: {  	[smem:$0x3FAA] =	sst s2  }
0xb: {  	[smem:$0x3FAB] =	sst s3  }
0xc: {  	[smem:$0x3FAC] =	sst s4  }
0xd: {  	[smem:$0x3FAD] =	sst s5  }
0xe: {  	[smem:$0x3FAE] =	sst s6  }
0xf: {  	[smem:$0x3FAF] =	sst s7  }
0x10: {  	[smem:$0x3FB0] =	sst s8  }
0x11: {  	[smem:$0x3FB1] =	sst s9;
	s0 =	simm.s32 @!p0 $0x0  }
0x12: {  	s1 =	sld [smem:$0x3F97];
	s0 =	simm.s32 @p0 $0x1  }
0x13: {  	[smem:$0x3FB2] =	sst s0;
	s0 =	simm.s32 @!p1 $0x0  }
0x14: {  	s2 =	sld [smem:$0x3F96];
	s0 =	simm.s32 @p1 $0x1  }
0x15: {  	[smem:$0x3FB3] =	sst s0;
	s0 =	simm.s32 @!p2 $0x0  }
0x16: {  	s3 =	sld [smem:$0x3FDB];
	s0 =	simm.s32 @p2 $0x1  }
0x17: {  	s4 =	simm.s32 $0x1BF5;
	[smem:$0x3FB5] =	sst s0  }
0x18: {  	s0 =	sld [smem:$0x3F98];
	_ =	swait.ge [sflag:s4], $0x0  }
0x19: {  	s7 =	sld [smem:$0x3F99]  }
0x1a: {  	s8 =	sadd.s32 $0xFFFFE003, lr  }
0x1b: {  	s9 =	sadd.s32 $0xFFFFFEF7, lr;
	s5 =	simm.s32 $0xFFFFFFFF;
	p2 =	slt.u32 s8, $0xFFFFF086  }
0x1c: {  	p1 =	slt.u32 s9, $0xF7A;
	s5 =	simm.s32 @!p2 $0x0  }
0x1d: {  	s5 =	simm.s32 @p1 $0x1;
	p0 =	seq.s32 s7, s2  }
0x1e: {  	s7 =	smul.u32 @!p0 $0xF7A, s2;
	p2 =	seq.s32 @!p0 s5, $0x0  }
0x1f: {  	s9 =	smul.u32 $0xF7A, s1;
	s8 =	simm.s32 @!p0 $0x1BF5;
	p2 =	por !p2, p0  }
0x20: {  	[sflag:s8] =	ssyncset.s32 @!p0 $0xFFFFF086;
	s6 =	sadd.s32 @!p0 s3, s7;
	s7 =	simm.s32 @!p0 $0x108  }
0x21: {  	s3 =	sadd.s32 s3, s9;
	s6 =	sadd.s32 @!p0 $0x88, s6;
	s7 =	simm.s32 @p2 $0x1082  }
0x22: {  	[simem:s7], [sflag:s8] =	dma.local @!p0 [hbm:s6], $0xF7A  }
0x23: {  	s9 =	sor.u32 $0xD0000000, s2;
	s6 =	simm.s32 $0x108;
	_ =	swait.ge @!p0 [sflag:s8], $0x0  }
0x24: {  	s3 =	sadd.s32 $0x88, s3;
	s6 =	simm.s32 @!p1 $0x1082;
	[sflag:s4] =	ssyncset.s32 $0xFFFFF086  }
0x25: {  	[simem:s6], [sflag:s4] =	dma.local [hbm:s3], $0xF7A  }
0x26: {  	[smem:$0x3F99] =	sst s1;
	(tag) =	ssettag s2;
	_ =	strace s9  }
0x27: {  	s1 =	sld [smem:$0x3FA9]  }
0x28: {  	s2 =	sld [smem:$0x3FAA]  }
0x29: {  	s4 =	sld [smem:$0x3FAC]  }
0x2a: {  	p0 =	seq.s32 s5, $0x0;
	s5 =	sld [smem:$0x3FAD]  }
0x2b: {  	s6 =	sld [smem:$0x3FAE]  }
0x2c: {  	s7 =	sld [smem:$0x3FAF]  }
0x2d: {  	s3 =	simm.s32 $0x108;
	s8 =	sld [smem:$0x3FB0]  }
0x2e: {  	s3 =	simm.s32 @!p0 $0x1082;
	s9 =	sld [smem:$0x3FB1]  }
0x2f: {  	lr =	sadd.s32 s0, s3;
	s0 =	sld [smem:$0x3FA8]  }
0x30: {  	s3 =	sld [smem:$0x3FAB]  }
0x31: {  	[smem:$0x3FB4] =	sst s10  }
0x32: {  	s10 =	sld [smem:$0x3FB2];
	_ =	sdelay $0x3  }
0x33: {  	p0 =	seq.s32 s10, $0x1;
	s10 =	sld [smem:$0x3FB4];
	_ =	sdelay $0x3  }
0x34: {  	[smem:$0x3FB4] =	sst s10  }
0x35: {  	s10 =	sld [smem:$0x3FB3];
	_ =	sdelay $0x3  }
0x36: {  	p1 =	seq.s32 s10, $0x1;
	s10 =	sld [smem:$0x3FB4];
	_ =	sdelay $0x3  }
0x37: {  	[smem:$0x3FB4] =	sst s10  }
0x38: {  	s10 =	sld [smem:$0x3FB5]  }
0x39: {  	_ = 	snop;
	(pc) =	sbr.ind lr, $3  }
0x3a: {  	_ = 	snop  }
0x3b: {  	_ = 	snop  }
0x3c: {  	p2 =	seq.s32 s10, $0x1;
	s10 =	sld [smem:$0x3FB4]  }
0x3d: {  	_ =	shalt  }
0x3e: {  	_ =	shalt  }
0x3f: {  	_ =	shalt  }
0x40: {  	_ =	shalt  }
0x41: {  	_ =	shalt  }
0x42: {  	_ =	shalt  }
0x43: {  	_ =	shalt  }
0x44: {  	_ =	shalt  }
0x45: {  	_ =	shalt  }
0x46: {  	_ =	shalt  }
0x47: {  	_ =	shalt  }
0x48: {  	_ =	shalt  }
0x49: {  	_ =	shalt  }
0x4a: {  	_ =	shalt  }
0x4b: {  	_ =	shalt  }
0x4c: {  	_ =	shalt  }
0x4d: {  	_ =	shalt  }
0x4e: {  	_ =	shalt  }
0x4f: {  	_ =	shalt  }
0x50: {  	_ =	shalt  }
0x51: {  	_ =	shalt  }
0x52: {  	_ =	shalt  }
0x53: {  	_ =	shalt  }
0x54: {  	_ =	shalt  }
0x55: {  	_ =	shalt  }
0x56: {  	_ =	shalt  }
0x57: {  	_ =	shalt  }
0x58: {  	_ =	shalt  }
0x59: {  	_ =	shalt  }
0x5a: {  	_ =	shalt  }
0x5b: {  	_ =	shalt  }
0x5c: {  	_ =	shalt  }
0x5d: {  	_ =	shalt  }
0x5e: {  	_ =	shalt  }
0x5f: {  	_ =	shalt  }
0x60: {  	_ =	shalt  }
0x61: {  	_ =	shalt  }
0x62: {  	_ =	shalt  }
0x63: {  	_ =	shalt  }
0x64: {  	_ =	shalt  }
0x65: {  	_ =	shalt  }
0x66: {  	_ =	shalt  }
0x67: {  	_ =	shalt  }
0x68: {  	_ =	shalt  }
0x69: {  	_ =	shalt  }
0x6a: {  	_ =	shalt  }
0x6b: {  	_ =	shalt  }
0x6c: {  	_ =	shalt  }
0x6d: {  	_ =	shalt  }
0x6e: {  	_ =	shalt  }
0x6f: {  	_ =	shalt  }
0x70: {  	_ =	shalt  }
0x71: {  	_ =	shalt  }
0x72: {  	_ =	shalt  }
0x73: {  	_ =	shalt  }
0x74: {  	_ =	shalt  }
0x75: {  	_ =	shalt  }
0x76: {  	_ =	shalt  }
0x77: {  	_ =	shalt  }
0x78: {  	_ =	shalt  }
0x79: {  	_ =	shalt  }
0x7a: {  	_ =	shalt  }
0x7b: {  	_ =	shalt  }
0x7c: {  	_ =	shalt  }
0x7d: {  	_ =	shalt  }
0x7e: {  	_ =	shalt  }
0x7f: {  	_ =	shalt  }
0x80: {  	_ =	shalt  }
0x81: {  	_ =	shalt  }
0x82: {  	_ =	shalt  }
0x83: {  	_ =	shalt  }
0x84: {  	_ =	shalt  }
0x85: {  	_ =	shalt  }
0x86: {  	_ =	shalt  }
0x87: {  	_ =	shalt  }
.Lfunc_end0:
.L_simem_size_0:
called_computation.1_lowered:
.L_overlay_start_0:
0x88: {  	s2 =	sld [smem:$0x3FD9]  }
0x89: {  	s3 =	sld [smem:$0x3FFE];
	_ =	sdelay $0x1  }
0x8a: {  	s1 =	srdreg.scid  }
0x8b: {  	s0 =	sand.u32 $0x1, s1  }
0x8c: {  	s17 =	sshll.u32 s0, $0xA;
	s2 =	sadd.s32 s3, s2  }
0x8d: {  	s2 =	sadd.s32 s2, s17  }
0x8e: {  	[smem:$0x3FC0] =	sst s2  }
0x8f: {  	_ = 	snop  }
0x90: {  	s2 =	sld [smem:$0x3FD0];
	(tm) =	ssettm $0x1  }
0x91: {  	s18 =	sld [smem:$0x3FFB];
	_ =	sdelay $0x3  }
0x92: {  	_ =	strace s18  }
0x93: {  	s3 =	sld [smem:$0x3FFC];
	_ =	sdelay $0x3  }
0x94: {  	_ =	strace s3  }
0x95: {  	s3 =	sld [smem:$0x3FFD];
	_ =	sdelay $0x3  }
0x96: {  	_ =	strace s3  }
0x97: {  	_ =	strace $0x8FFFFFFF  }
0x98: {  	s19 =	sld [smem:$0x3FDB];
	_ =	sdelay $0x1  }
0x99: {  	s4 =	simm.s32 $_scs_section_size  }
0x9a: {  	s5 =	simm.s32 $_size__tile_overlayer_lowered;
	s6 =	simm.s32 $_tile_overlayer_lowered  }
0x9b: {  	s22 =	simm.s32 $0x1BFF;
	s21 =	sshll.u32 s6, $0x1;
	s3 =	sadd.s32 s4, s19  }
0x9c: {  	s7 =	simm.s32 $0x0;
	s20 =	sshll.u32 s5, $0x1;
	s5 =	sadd.s32 s21, s3  }
0x9d: {  	[timem:s7], [sflag:s22] =	dma.local [hbm:s5], s20  }
0x9e: {  	_ =	swait.ge [sflag:s22], s20  }
0x9f: {  	s4 =	ssub.s32 $0x0, s20;
	[sflag:s22] =	ssyncset.done $0x0  }
0xa0: {  	[sflag:s22] =	ssyncadd.s32 s4;
	_ =	sdelay $0x1  }
0xa1: {  	s23 =	simm.s32 $0x1B8B  }
0xa2: {  	_ =	swait.ge [sflag:s23], $0x1  }
0xa3: {  	[sflag:s23] =	ssyncset.done $0x0  }
0xa4: {  	s25 =	simm.s32 $0x1B8E;
	s24 =	sld [smem:$0x3FFE];
	[sflag:s23] =	ssyncadd.s32 $0xFFFFFFFF  }
0xa5: {  	s26 =	simm.s32 $execute0_lowered;
	[smem:$0x3FD2] =	sst s25  }
0xa6: {  	s5 =	sshll.u32 s26, $0x1;
	_ =	strace $0x80000049;
	[dreg:$0x1] =	wrdreg $0xFFFFFFFF  }
0xa7: {  	s28 =	simm.s32 $_size_execute0_lowered;
	s3 =	sadd.s32 s3, s5;
	[dreg:$0x0] =	wrdreg $0x0  }
0xa8: {  	s5 =	sshll.u32 s28, $0x1;
	[dreg:$0x2] =	wrdreg s3  }
0xa9: {  	[dreg:$0x3] =	wrdreg s5  }
0xaa: {  	[dreg:$0x4] =	wrdreg $0xC0  }
0xab: {  	_ =	task [dreg:s7], $0x5FFFF  }
0xac: {  	[dreg:$0x1] =	wrdreg $0xFFFFFFFF  }
0xad: {  	[dreg:$0x0] =	wrdreg $0x60  }
0xae: {  	[dreg:$0x2] =	wrdreg s2  }
0xaf: {  	[dreg:$0x3] =	wrdreg s24  }
0xb0: {  	[dreg:$0x4] =	wrdreg $0x5E000  }
0xb1: {  	[dreg:$0x5] =	wrdreg $0x9  }
0xb2: {  	_ =	task.clear_ibuf [dreg:s7], $0x6FFFF;
	_ =	strace $0x90000049  }
0xb3: {  	s29 =	simm.s32 $0x9;
	_ =	strace $0x8000004B  }
0xb4: {  	_ =	swait.ge [sflag:s29], $0x1  }
0xb5: {  	[sflag:s29] =	ssyncadd.s32 $0xFFFFFFFF  }
0xb6: {  	_ =	strace $0x9000004B  }
0xb7: {  	_ =	sfence  }
0xb8: {  	s30 =	sld [smem:$0x0];
	_ =	sdelay $0x2  }
0xb9: {  	s31 =	sshll.u32 s1, $0xD;
	s1 =	sshrl.u32 s1, $0x2  }
0xba: {  	s3 =	sand.u32 $0x4000, s31;
	s1 =	sadd.s32 s1, s30  }
0xbb: {  	s0 =	sor.u32 s3, s0;
	s1 =	sshll.u32 s1, $0x11  }
0xbc: {  	s0 =	sor.u32 s1, s0  }
0xbd: {  	s0 =	sadd.s32 $0x8F2B, s0  }
0xbe: {  	[sflag:s0] =	ssyncadd.remote.s32 $0x1  }
0xbf: {  	_ =	sfence.sel $0xFFFF  }
0xc0: {  	[dreg:$0x0] =	wrdreg $0xFFFFFFFF;
	(pc) =	sbr.abs _section_cstart, $3  }
0xc1: {  	[dreg:$0x1] =	wrdreg $0xFFFFFFFF  }
0xc2: {  	_ =	task.clear_ibuf [dreg:s7], $0x2FFFF;
	_ =	strace $0x9FFFFFFF  }
0xc3: {  	(tm) =	ssettm $0x7FFFFFFF  }
tec
execute0_lowered:
.L_overlay_start_1:
0x0: {  	(tag) =	ssettag $0x1  }
0x1: {  	s1 =	rddreg [dreg:$0x0]  }
0x2: {  	s7 =	rddreg [dreg:$0x1]  }
0x3: {  	s3 =	rddreg [dreg:$0x2]  }
0x4: {  	s0 =	srdreg.scid;
	s2 =	rddreg [dreg:$0x3]  }
0x5: {  	s4 =	simm.s32 $0x0;
	s17 =	simm.s32 $0x2A00;
	s18 =	simm.s32 $0x2  }
0x6: {  	s19 =	simm.s32 $0x100;
	s20 =	simm.s32 $0x50;
	s5 =	sand.u32 $0x1, s0  }
0x7: {  	s21 =	simm.s32 $0x200;
	s0 =	stileid.u32;
	s6 =	smul.u32 $0x27100, s5  }
0x8: {  	s22 =	simm.s32 $0x1;
	s23 =	simm.s32 $0x0;
	s8 =	smul.u32 $0x2710, s0  }
0x9: {  	[smem:$0x7FF] =	sst s4;
	s13 =	sadd.s32 $0x15C00, s7;
	s28 =	smul.u32 $0x4E000, s0  }
0xa: {  	_ =	strace $0x8000004A;
	s29 =	ssub.s32 $0x2, s5;
	s11 =	smul.u32 $0x138800, s5  }
0xb: {  	s10 =	smul.u32 $0x13800, s0;
	p0 =	sne.s32 s0, $0xF;
	s31 =	sshrl.u32 s29, $0x1  }
0xc: {  	s6 =	sadd.s32 s8, s6;
	s30 =	sshrl.u32 s28, $0x2;
	s14 =	ssub.s32 s29, s31  }
0xd: {  	s12 =	sadd.s32 s10, s11;
	s15 =	sshrl.u32 s11, $0x3;
	s11 =	sadd.s32 $0x138000, s3  }
0xe: {  	s6 =	sshrl.u32 s6, $0x3;
	s5 =	sadd.s32 s30, s3;
	s12 =	sshrl.u32 s12, $0x3  }
0xf: {  	s14 =	smax.u32 s14, $0x1;
	s16 =	sadd.s32 s6, s7;
	s6 =	sadd.s32 $0x3400, s5  }
0x10: {  	s7 =	sadd.s32 $0x6800, s5;
	s8 =	sadd.s32 $0x9C00, s5;
	s9 =	sadd.s32 $0xD000, s5  }
0x11: {  	s10 =	sadd.s32 $0x10400, s5;
	s12 =	sadd.s32 s13, s12;
	s13 =	sadd.s32 s13, s15  }
0x12: {  	v0 =	vimm.f32 $0.0e+00;
	s13 =	sadd.s32 $0x27000, s13;
	s15 =	sadd.s32 $0x2000, s16;
	s16 =	sadd.s32 $0xBE00, s16  }
.LBB2_1:
0x13: {  	s24 =	sand.u32 $0xFE00, s4  }
0x14: {  	s25 =	sand.u32 $0x70, s4;
	s26 =	sshrl.u32 s24, $0x2  }
0x15: {  	s24 =	simm.s32 $0x40;
	s26 =	sor.u32 s25, s26;
	s25 =	simm.s32 $0x0  }
.LBB2_2:
0x16: {  	p1 =	sne.s32 s24, $0xCFC0  }
0x17: {  	[tilespmem:s26+$0x2A00] =	vst v0;
	s25 =	sadd.s32 $0x10, s25;
	s26 =	smov.u32 s24;
	s24 =	sadd.s32 $0x40, s24  }
.Ltmp0:
0x18: {  	(pc) =	sbr.rel @p1 .LBB2_2-.Ltmp0, $4  }
0x19: {  	_ = 	snop  }
0x1a: {  	s26 =	sand.u32 $0xFE00, s26  }
0x1b: {  	s28 =	sand.u32 $0x70, s25;
	s26 =	sshrl.u32 s26, $0x2  }
0x1c: {  	s26 =	sor.u32 s28, s26  }
0x1d: {  	[tilespmem:s26+$0x2A00] =	vst v0  }
0x1e: {  	[spmem:s5] =	stream.linear.scatter [tilespmem:s17], [sflag:$0x2], $0x3400, $0x38;
	[tilespmem:$0x19680] =	vst v63  }
0x1f: {  	_ =	swait.ge [sflag:s18], $0x3400  }
0x20: {  	[sflag:s18] =	ssyncset.done $0x0  }
0x21: {  	[sflag:s18] =	ssyncadd.s32 $0xFFFFCC00  }
0x22: {  	[spmem:s6] =	stream.linear.scatter [tilespmem:s17], [sflag:$0x2], $0x3400, $0x38;
	[tilespmem:$0x19680] =	vst v63  }
0x23: {  	_ =	swait.ge [sflag:s18], $0x3400  }
0x24: {  	[sflag:s18] =	ssyncset.done $0x0  }
0x25: {  	[sflag:s18] =	ssyncadd.s32 $0xFFFFCC00  }
0x26: {  	[spmem:s7] =	stream.linear.scatter [tilespmem:s17], [sflag:$0x2], $0x3400, $0x38;
	[tilespmem:$0x19680] =	vst v63  }
0x27: {  	_ =	swait.ge [sflag:s18], $0x3400  }
0x28: {  	[sflag:s18] =	ssyncset.done $0x0  }
0x29: {  	[sflag:s18] =	ssyncadd.s32 $0xFFFFCC00  }
0x2a: {  	[spmem:s8] =	stream.linear.scatter [tilespmem:s17], [sflag:$0x2], $0x3400, $0x38;
	[tilespmem:$0x19680] =	vst v63  }
0x2b: {  	_ =	swait.ge [sflag:s18], $0x3400  }
0x2c: {  	[sflag:s18] =	ssyncset.done $0x0  }
0x2d: {  	[sflag:s18] =	ssyncadd.s32 $0xFFFFCC00  }
0x2e: {  	[spmem:s9] =	stream.linear.scatter [tilespmem:s17], [sflag:$0x2], $0x3400, $0x38;
	[tilespmem:$0x19680] =	vst v63  }
0x2f: {  	_ =	swait.ge [sflag:s18], $0x3400  }
0x30: {  	[sflag:s18] =	ssyncset.done $0x0  }
0x31: {  	[sflag:s18] =	ssyncadd.s32 $0xFFFFCC00  }
0x32: {  	[spmem:s10] =	stream.linear.scatter [tilespmem:s17], [sflag:$0x2], $0x3400, $0x38;
	[tilespmem:$0x19680] =	vst v63  }
0x33: {  	_ =	swait.ge [sflag:s18], $0x3400  }
0x34: {  	[sflag:s18] =	ssyncset.done $0x0  }
0x35: {  	s24 =	simm.s32 @!p0 $0x2A00;
	[sflag:s18] =	ssyncadd.s32 $0xFFFFCC00  }
0x36: {  	[spmem:s11] =	stream.linear.scatter @!p0 [tilespmem:s24], [sflag:$0x2], $0x800, $0x38;
	[tilespmem:$0x19680] =	vst v63  }
0x37: {  	s24 =	simm.s32 @!p0 $0x2  }
0x38: {  	_ =	swait.ge @!p0 [sflag:s24], $0x800  }
0x39: {  	[sflag:s24] =	ssyncset.done @!p0 $0x0  }
0x3a: {  	[sflag:s24] =	ssyncadd.s32 @!p0 $0xFFFFF800  }
0x3b: {  	s30 =	sadd.s32 $0x0, s16;
	[bflag:$0x0] =	sbarrier.arrive $0xFFFF  }
0x3c: {  	[tilespmem:s4], [sflag:$0x2] =	stream.linear.gather [hbm4b:s30+s4], $0x50, $0x38;
	[tilespmem:$0x19680] =	vst v63  }
0x3d: {  	_ =	swait.ge [sflag:s18], $0x50  }
0x3e: {  	[sflag:s18] =	ssyncset.done $0x0  }
0x3f: {  	s31 =	sadd.s32 $0x0, s15;
	[sflag:s18] =	ssyncadd.s32 $0xFFFFFFB0  }
0x40: {  	[tilespmem:s19], [sflag:$0x2] =	stream.linear.gather [hbm4b:s31+s4], $0x50, $0x38;
	[tilespmem:$0x19680] =	vst v63  }
0x41: {  	_ =	swait.ge [sflag:s18], $0x50  }
0x42: {  	[sflag:s18] =	ssyncset.done $0x0  }
0x43: {  	[sflag:s18] =	ssyncadd.s32 $0xFFFFFFB0  }
0x44: {  	[tilespmem:s21], [sflag:$0x1] =	stream.indirect.gather [hbm4b:s1+s20], $0x80, s4, s20, $0xb8;
	[tilespmem:$0x19680] =	vst v63  }
0x45: {  	_ =	swait.ge [sflag:s22], $0x2800  }
0x46: {  	[sflag:s22] =	ssyncset.done $0x0  }
0x47: {  	[sflag:s22] =	ssyncadd.s32 $0xFFFFD800  }
0x48: {  	[spmem:s3] =	stream.indirect.scatter.add.f32 [tilespmem:s21], [sflag:$0x2], $0x80, s19, s20, $0xb8;
	[tilespmem:$0x19680] =	vst v63  }
0x49: {  	_ =	swait.ge [sflag:s18], $0x2800  }
0x4a: {  	s25 =	simm.s32 $0x14;
	s24 =	simm.s32 $0xA;
	[sflag:s18] =	ssyncset.done $0x0  }
.LBB2_4:
0x4b: {  	s26 =	sadd.s32 s24, s16  }
0x4c: {  	[sflag:s18] =	ssyncadd.s32 $0xFFFFD800;
	s28 =	smov.u32 s25;
	s29 =	sadd.s32 $0xA, s25  }
0x4d: {  	[tilespmem:s4], [sflag:$0x2] =	stream.linear.gather [hbm4b:s26+s4], $0x50, $0x38;
	[tilespmem:$0x19680] =	vst v63  }
0x4e: {  	p1 =	sne.s32 s25, $0x4D8;
	_ =	swait.ge [sflag:s18], $0x50  }
0x4f: {  	[sflag:s18] =	ssyncset.done $0x0  }
0x50: {  	s25 =	sadd.s32 s24, s15;
	s24 =	smov.u32 s28;
	[sflag:s18] =	ssyncadd.s32 $0xFFFFFFB0  }
0x51: {  	[tilespmem:s19], [sflag:$0x2] =	stream.linear.gather [hbm4b:s25+s4], $0x50, $0x38;
	[tilespmem:$0x19680] =	vst v63  }
0x52: {  	_ =	swait.ge [sflag:s18], $0x50  }
0x53: {  	[sflag:s18] =	ssyncset.done $0x0  }
0x54: {  	[sflag:s18] =	ssyncadd.s32 $0xFFFFFFB0  }
0x55: {  	[tilespmem:s21], [sflag:$0x1] =	stream.indirect.gather [hbm4b:s1+s20], $0x80, s4, s20, $0xb8;
	[tilespmem:$0x19680] =	vst v63  }
0x56: {  	_ =	swait.ge [sflag:s22], $0x2800  }
.Ltmp1:
0x57: {  	[sflag:s22] =	ssyncset.done $0x0;
	(pc) =	sbr.rel @p1 .LBB2_4-.Ltmp1, $4  }
0x58: {  	[sflag:s22] =	ssyncadd.s32 $0xFFFFD800  }
0x59: {  	[spmem:s3] =	stream.indirect.scatter.add.f32 [tilespmem:s21], [sflag:$0x2], $0x80, s19, s20, $0xb8;
	[tilespmem:$0x19680] =	vst v63  }
0x5a: {  	_ =	swait.ge [sflag:s18], $0x2800  }
0x5b: {  	s25 =	smov.u32 s29;
	[sflag:s18] =	ssyncset.done $0x0  }
0x5c: {  	s25 =	sadd.s32 s24, s16;
	[sflag:s18] =	ssyncadd.s32 $0xFFFFD800  }
0x5d: {  	[tilespmem:s4], [sflag:$0x2] =	stream.linear.gather [hbm4b:s25+s4], $0x50, $0x38;
	[tilespmem:$0x19680] =	vst v63  }
0x5e: {  	_ =	swait.ge [sflag:s18], $0x50  }
0x5f: {  	[sflag:s18] =	ssyncset.done $0x0  }
0x60: {  	s29 =	sadd.s32 s24, s15;
	[sflag:s18] =	ssyncadd.s32 $0xFFFFFFB0  }
0x61: {  	[tilespmem:s19], [sflag:$0x2] =	stream.linear.gather [hbm4b:s29+s4], $0x50, $0x38;
	[tilespmem:$0x19680] =	vst v63  }
0x62: {  	_ =	swait.ge [sflag:s18], $0x50  }
0x63: {  	[sflag:s18] =	ssyncset.done $0x0  }
0x64: {  	[sflag:s18] =	ssyncadd.s32 $0xFFFFFFB0  }
0x65: {  	[tilespmem:s21], [sflag:$0x1] =	stream.indirect.gather [hbm4b:s1+s20], $0x80, s4, s20, $0xb8;
	[tilespmem:$0x19680] =	vst v63  }
0x66: {  	_ =	swait.ge [sflag:s22], $0x2800  }
0x67: {  	[sflag:s22] =	ssyncset.done $0x0  }
0x68: {  	[sflag:s22] =	ssyncadd.s32 $0xFFFFD800  }
0x69: {  	[spmem:s3] =	stream.indirect.scatter.add.f32 [tilespmem:s21], [sflag:$0x2], $0x80, s19, s20, $0xb8;
	[tilespmem:$0x19680] =	vst v63  }
0x6a: {  	_ =	swait.ge [sflag:s18], $0x2800  }
0x6b: {  	[sflag:s18] =	ssyncset.done $0x0  }
0x6c: {  	s30 =	sshll.u32 s0, $0x6;
	[sflag:s18] =	ssyncadd.s32 $0xFFFFD800  }
0x6d: {  	s31 =	sshrl.u32 s5, $0x3;
	s24 =	sor.u32 $0x1C02, s30;
	[bflag:$0x0] =	sbarrier.arrive $0xFFFF  }
0x6e: {  	[hbm:s12], [sflag:s24] =	dma.local [spmem:s31], $0x2700  }
0x6f: {  	_ =	swait.ge [sflag:s18], $0x2700  }
0x70: {  	s23 =	sadd.s32 $0x1, s23;
	[sflag:s18] =	ssyncset.done $0x0  }
0x71: {  	s25 =	sshrl.u32 @!p0 s11, $0x3;
	p1 =	sne.s32 s23, s14;
	[sflag:s18] =	ssyncadd.s32 $0xFFFFD900  }
0x72: {  	[hbm:s13], [sflag:s24] =	dma.local @!p0 [spmem:s25], $0x100  }
.Ltmp2:
0x73: {  	_ = 	snop;
	(pc) =	sbr.rel @p1 .LBB2_1-.Ltmp2, $4  }
0x74: {  	s24 =	simm.s32 @!p0 $0x2  }
0x75: {  	_ =	swait.ge @!p0 [sflag:s24], $0x100  }
0x76: {  	[sflag:s24] =	ssyncset.done @!p0 $0x0  }
0x77: {  	[sflag:s24] =	ssyncadd.s32 @!p0 $0xFFFFFF00  }
0x78: {  	_ =	sfence.sel $0x180000  }
0x79: {  	[bflag:$0x0] =	sbarrier.arrive $0xFFFF  }
0x7a: {  	p0 =	sne.s32 s0, $0x0;
	_ =	strace $0x9000004A  }
0x7b: {  	s0 =	sadd.s32 @!p0 $0x100000, s2;
	[bflag:$0x2] =	sbarrier.arrive $0xFFFF  }
0x7c: {  	[sflag:s0] =	ssyncadd.tile.s32 @!p0 $0x1;
	_ =	shalt  }
.Lfunc_end2:
_tile_overlayer_lowered:
.L_overlay_start_2:
0x7d: {  	(tag) =	ssettag $0x2  }
0x7e: {  	s0 =	rddreg [dreg:$0x0];
	s2 =	stileid.u32  }
0x7f: {  	s1 =	rddreg [dreg:$0x1];
	p0 =	sne.s32 s2, $0x0  }
0x80: {  	s3 =	rddreg [dreg:$0x2];
	[bflag:$0x3] =	sbarrier.arrive $0xFFFF;
	s2 =	simm.s32 @!p0 $0x1C02  }
0x81: {  	[timem:s3], [sflag:s2] =	dma.local @!p0 [hbm:s0], s1  }
0x82: {  	s0 =	simm.s32 @!p0 $0x2  }
0x83: {  	_ =	swait.ge @!p0 [sflag:s0], s1  }
0x84: {  	s1 =	ssub.s32 @!p0 $0x0, s1;
	[sflag:s0] =	ssyncset.done @!p0 $0x0  }
0x85: {  	[sflag:s0] =	ssyncadd.s32 @!p0 s1  }
0x86: {  	[bflag:$0x3] =	sbarrier.arrive $0xFFFF  }
0x87: {  	_ =	shalt  }

</sc_bundles>
